<compile_context>
chip_gen: v7x
topology: tpu7x:2x2x1
jax: 0.10.2.dev20260603
libtpu: 0.0.44.dev20260713+nightly
codegen_flags: <defaults>
</compile_context>

<pallas_src>
import functools

import jax
import jax.numpy as jnp
from jax import lax
from jax.experimental import pallas as pl
from jax.experimental.pallas import tpu as pltpu
from jax.experimental.pallas import tpu_sc as plsc

_MAX_DEG = 32
_DEPTH = 2
_NEIGH = (16, 8)
_LANES = 16


@functools.cache
def _sampler_kernel(batch):
    info = plsc.get_sparse_core_info()
    nc, ns = info.num_cores, info.num_subcores
    nw = nc * ns
    seeds_w = batch // nw
    assert seeds_w * nw == batch
    h1_w = seeds_w * _NEIGH[0]
    h2_chunk = seeds_w
    n_sub = h1_w // h2_chunk
    h2_out_chunk = h2_chunk * _NEIGH[1]
    k1 = batch * _NEIGH[0]
    k2 = k1 * _NEIGH[1]
    mesh = plsc.VectorSubcoreMesh(core_axis_name="c", subcore_axis_name="s")

    odt = lambda n, dt: jax.ShapeDtypeStruct((n,), dt)

    @functools.partial(
        pl.kernel,
        mesh=mesh,
        compiler_params=pltpu.CompilerParams(
            needs_layout_passes=False, use_tc_tiling_on_sc=False),
        out_type=(
            odt(k1, jnp.int32), odt(k1, jnp.float32),
            odt(k1, jnp.int32), odt(k1, jnp.float32),
            odt(k2, jnp.int32), odt(k2, jnp.float32),
            odt(k2, jnp.int32), odt(k2, jnp.float32),
        ),
        scratch_types=[
            pltpu.VMEM((seeds_w,), jnp.int32),
            pltpu.VMEM((h2_chunk, _MAX_DEG), jnp.int32),
            pltpu.VMEM((h2_chunk, _MAX_DEG), jnp.float32),
            pltpu.VMEM((h1_w,), jnp.int32),
            pltpu.VMEM((h1_w,), jnp.int32),
            pltpu.VMEM((h1_w,), jnp.float32),
            pltpu.VMEM((h2_out_chunk,), jnp.int32),
            pltpu.VMEM((h2_out_chunk,), jnp.int32),
            pltpu.VMEM((h2_out_chunk,), jnp.float32),
            pltpu.SemaphoreType.DMA,
        ],
    )
    def sample(q_hbm, u_hbm, adj_hbm, edge_hbm,
               li0q_hbm, li0u_hbm, li1q_hbm, li1u_hbm,
               qn0_hbm, qe0_hbm, un0_hbm, ue0_hbm,
               qn1_hbm, qe1_hbm, un1_hbm, ue1_hbm,
               seeds_v, arow_v, erow_v, li1_v, n0_v, e0_v,
               li2_v, n1_v, e1_v, sem):
        wid = lax.axis_index("s") * nc + lax.axis_index("c")

        def select(li_ref, n_ref, e_ref, nvregs, base):
            def body(v, carry):
                off = base + v * _LANES
                li = li_ref[pl.ds(off, _LANES)]
                row = lax.shift_right_logical(li, 5)
                col = jnp.bitwise_and(li, _MAX_DEG - 1)
                n_ref[pl.ds(off, _LANES)] = plsc.load_gather(
                    arow_v, [row, col])
                e_ref[pl.ds(off, _LANES)] = plsc.load_gather(
                    erow_v, [row, col])
                return carry
            lax.fori_loop(0, nvregs, body, 0)

        def branch(seed_hbm, li0_hbm, li1_hbm,
                   n0_hbm, e0_hbm, n1_hbm, e1_hbm):
            sbase = wid * seeds_w
            pltpu.sync_copy(seed_hbm.at[pl.ds(sbase, seeds_w)], seeds_v)
            cp_a = pltpu.async_copy(adj_hbm.at[seeds_v], arow_v, sem)
            cp_e = pltpu.async_copy(edge_hbm.at[seeds_v], erow_v, sem)
            pltpu.sync_copy(li0_hbm.at[pl.ds(wid * h1_w, h1_w)], li1_v)
            cp_a.wait()
            cp_e.wait()
            select(li1_v, n0_v, e0_v, h1_w // _LANES, 0)
            pltpu.sync_copy(n0_v, n0_hbm.at[pl.ds(wid * h1_w, h1_w)])
            pltpu.sync_copy(e0_v, e0_hbm.at[pl.ds(wid * h1_w, h1_w)])
            def sub(c, carry):
                cp_a2 = pltpu.async_copy(
                    adj_hbm.at[n0_v.at[pl.ds(c * h2_chunk, h2_chunk)]],
                    arow_v, sem)
                cp_e2 = pltpu.async_copy(
                    edge_hbm.at[n0_v.at[pl.ds(c * h2_chunk, h2_chunk)]],
                    erow_v, sem)
                obase = wid * (h1_w * _NEIGH[1]) + c * h2_out_chunk
                pltpu.sync_copy(li1_hbm.at[pl.ds(obase, h2_out_chunk)], li2_v)
                cp_a2.wait()
                cp_e2.wait()
                select(li2_v, n1_v, e1_v, h2_out_chunk // _LANES, 0)
                pltpu.sync_copy(n1_v, n1_hbm.at[pl.ds(obase, h2_out_chunk)])
                pltpu.sync_copy(e1_v, e1_hbm.at[pl.ds(obase, h2_out_chunk)])
                return carry
            lax.fori_loop(0, n_sub, sub, 0)

        branch(q_hbm, li0q_hbm, li1q_hbm, qn0_hbm, qe0_hbm, qn1_hbm, qe1_hbm)
        branch(u_hbm, li0u_hbm, li1u_hbm, un0_hbm, ue0_hbm, un1_hbm, ue1_hbm)

    return sample


def _sample_cols(item_key, batch):
    key = item_key
    cols = []
    m = batch
    for i in range(_DEPTH):
        key, sub = jax.random.split(key)
        cols.append(jax.random.randint(sub, (m, _NEIGH[i]), 0, _MAX_DEG))
        m = m * _NEIGH[i]
    return cols


def _local_idx(cols, chunk):
    m = cols.shape[0]
    local_row = (jnp.arange(m, dtype=jnp.int32) % chunk)[:, None]
    return (local_row * _MAX_DEG + cols).reshape(-1)


def kernel(question, answer_edge, user, adj, adj_edge):
    del answer_edge
    batch = question.shape[0]
    kq, ku = jax.random.split(jax.random.key(42))
    cq = _sample_cols(kq, batch)
    cu = _sample_cols(ku, batch)

    info = plsc.get_sparse_core_info()
    chunk = batch // (info.num_cores * info.num_subcores)
    li0q = _local_idx(cq[0], chunk)
    li0u = _local_idx(cu[0], chunk)
    li1q = _local_idx(cq[1], chunk)
    li1u = _local_idx(cu[1], chunk)

    qn0, qe0, un0, ue0, qn1, qe1, un1, ue1 = _sampler_kernel(batch)(
        question, user, adj, adj_edge, li0q, li0u, li1q, li1u)

    m1, m2 = batch, batch * _NEIGH[0]
    return (qn0.reshape(m1, _NEIGH[0]), qn1.reshape(m2, _NEIGH[1]),
            qe0.reshape(m1, _NEIGH[0]), qe1.reshape(m2, _NEIGH[1]),
            un0.reshape(m1, _NEIGH[0]), un1.reshape(m2, _NEIGH[1]),
            ue0.reshape(m1, _NEIGH[0]), ue1.reshape(m2, _NEIGH[1]))

# --- scband reference (transcript-rebuilt; emitter-appended) ---
"""Pipeline reference for scband-inducieve-learning-76381698392372 (READ-ONLY COPY).

The authoritative reference and input builder live on the scoring server;
editing this copy changes nothing except your own understanding.
"""

import jax, jax.numpy as jnp
import numpy as np

N_NODES = 100000
MAX_DEG = 32
B = 16384
DEPTH = 2
NEIGH = [16, 8]


def setup_inputs(seed: int = 0) -> dict:
    key = jax.random.key(seed)
    k1, k2, k3, k4, k5 = jax.random.split(key, 5)
    question = jax.random.randint(k1, (B,), 0, N_NODES, dtype=jnp.int32)
    answer_edge = jax.random.randint(k2, (B,), 0, N_NODES * MAX_DEG, dtype=jnp.int32)
    user = jax.random.randint(k3, (B,), 0, N_NODES, dtype=jnp.int32)
    # adjacency-list tables (module state: self.adj, self.adj_edge)
    adj = jax.random.randint(k4, (N_NODES, MAX_DEG), 0, N_NODES, dtype=jnp.int32)
    adj_edge = jax.random.normal(k5, (N_NODES, MAX_DEG), dtype=jnp.float32)
    return {"question": question, "answer_edge": answer_edge, "user": user,
            "adj": adj, "adj_edge": adj_edge}


def _sample_layer(adj, adj_edge, current, n, key):
    # UniformNeighborSampler: gather adjacency rows for current nodes,
    # then uniformly sample n neighbor slots per node.
    rows = jnp.take(adj, current, axis=0)        # [M, MAX_DEG] int
    erows = jnp.take(adj_edge, current, axis=0)  # [M, MAX_DEG] float
    cols = jax.random.randint(key, (current.shape[0], n), 0, MAX_DEG)
    nodes = jnp.take_along_axis(rows, cols, axis=1)
    edges = jnp.take_along_axis(erows, cols, axis=1)
    return nodes, edges


def _neighbor_sample(adj, adj_edge, item, depth, neighbor_number_list, key):
    neighbor_node = []
    neighbor_edge = []
    current = item
    for i in range(depth):
        key, sub = jax.random.split(key)
        n_l, e_l = _sample_layer(adj, adj_edge, current, neighbor_number_list[i], sub)
        neighbor_node.append(n_l)
        neighbor_edge.append(e_l)
        current = n_l.reshape(-1)
    return neighbor_node, neighbor_edge


def reference(question, answer_edge, user, adj, adj_edge):
    key = jax.random.key(42)
    kq, ku = jax.random.split(key)
    q_nodes, q_edges = _neighbor_sample(adj, adj_edge, question, DEPTH, NEIGH, kq)
    u_nodes, u_edges = _neighbor_sample(adj, adj_edge, user, DEPTH, NEIGH, ku)
    # torch forward returns None after sampling; we return the sampled
    # multi-hop neighborhoods (the actual computed state) instead.
    return tuple(q_nodes) + tuple(q_edges) + tuple(u_nodes) + tuple(u_edges)

if __name__ == "__main__":
    import jax
    _d = setup_inputs()
    print(jax.jit(kernel)(*tuple(_d.values())))

</pallas_src>

<mosaic_0001>
#map = affine_map<(d0, d1) -> (0)>
#map1 = affine_map<(d0, d1) -> (0, 0)>
module attributes {stable_mosaic.version = 14 : i64} {
  func.func @sample(%arg0: i32, %arg1: i32, %arg2: memref<16384xi32, #tpu.memory_space<hbm>>, %arg3: memref<16384xi32, #tpu.memory_space<hbm>>, %arg4: memref<100000x32xi32, #tpu.memory_space<hbm>>, %arg5: memref<100000x32xf32, #tpu.memory_space<hbm>>, %arg6: memref<262144xi32, #tpu.memory_space<hbm>>, %arg7: memref<262144xi32, #tpu.memory_space<hbm>>, %arg8: memref<2097152xi32, #tpu.memory_space<hbm>>, %arg9: memref<2097152xi32, #tpu.memory_space<hbm>>, %arg10: memref<262144xi32, #tpu.memory_space<hbm>>, %arg11: memref<262144xf32, #tpu.memory_space<hbm>>, %arg12: memref<262144xi32, #tpu.memory_space<hbm>>, %arg13: memref<262144xf32, #tpu.memory_space<hbm>>, %arg14: memref<2097152xi32, #tpu.memory_space<hbm>>, %arg15: memref<2097152xf32, #tpu.memory_space<hbm>>, %arg16: memref<2097152xi32, #tpu.memory_space<hbm>>, %arg17: memref<2097152xf32, #tpu.memory_space<hbm>>, %arg18: memref<512xi32, #tpu.memory_space<vmem>>, %arg19: memref<512x32xi32, #tpu.memory_space<vmem>>, %arg20: memref<512x32xf32, #tpu.memory_space<vmem>>, %arg21: memref<8192xi32, #tpu.memory_space<vmem>>, %arg22: memref<8192xi32, #tpu.memory_space<vmem>>, %arg23: memref<8192xf32, #tpu.memory_space<vmem>>, %arg24: memref<4096xi32, #tpu.memory_space<vmem>>, %arg25: memref<4096xi32, #tpu.memory_space<vmem>>, %arg26: memref<4096xf32, #tpu.memory_space<vmem>>, %arg27: memref<!tpu.dma_semaphore, #tpu.memory_space<semaphore_mem>>) attributes {dimension_semantics = [#tpu.dimension_semantics<core_parallel>, #tpu.dimension_semantics<subcore_parallel>], iteration_bounds = array<i64: 2, 16>, scalar_prefetch = 0 : i64, scratch_operands = 10 : i64, tpu.core_type = #tpu.core_type<sc_vector_subcore>, window_params = [{transform_indices = #map}, {transform_indices = #map}, {transform_indices = #map1}, {transform_indices = #map1}, {transform_indices = #map}, {transform_indices = #map}, {transform_indices = #map}, {transform_indices = #map}, {transform_indices = #map}, {transform_indices = #map}, {transform_indices = #map}, {transform_indices = #map}, {transform_indices = #map}, {transform_indices = #map}, {transform_indices = #map}, {transform_indices = #map}]} {
    %mul3A = arith.constant 2 : i32
    %mul3A_0 = arith.muli %arg1, %mul3A : i32
    %add3A = arith.addi %mul3A_0, %arg0 : i32
    %mul3A_1 = arith.constant 512 : i32
    %mul3A_2 = arith.muli %add3A, %mul3A_1 : i32
    "tpu.region"() ({
      %run_scoped3A = tpu.sem_alloc : memref<!tpu.dma_semaphore, #tpu.memory_space<semaphore_mem>>
      %dma_start3A_62 = tpu.memref_slice %arg2[%mul3A_2] : memref<16384xi32, #tpu.memory_space<hbm>> -> memref<512xi32, #tpu.memory_space<hbm>>
      %dma_start3A_63 = tpu.memref_slice %arg2[%mul3A_2] : memref<16384xi32, #tpu.memory_space<hbm>> -> memref<512xi32, #tpu.memory_space<hbm>>
      tpu.enqueue_dma source(%dma_start3A_63 : memref<512xi32, #tpu.memory_space<hbm>>) target(%arg18 : memref<512xi32, #tpu.memory_space<vmem>>) target_semaphore(%run_scoped3A : memref<!tpu.dma_semaphore, #tpu.memory_space<semaphore_mem>>)
      %dma_wait3A_64 = tpu.memref_slice %arg2[%mul3A_2] : memref<16384xi32, #tpu.memory_space<hbm>> -> memref<512xi32, #tpu.memory_space<hbm>>
      %dma_wait3A_65 = tpu.memref_slice %arg2[%mul3A_2] : memref<16384xi32, #tpu.memory_space<hbm>> -> memref<512xi32, #tpu.memory_space<hbm>>
      tpu.wait_dma2 semaphore(%run_scoped3A : memref<!tpu.dma_semaphore, #tpu.memory_space<semaphore_mem>>) src(%dma_wait3A_65 : memref<512xi32, #tpu.memory_space<hbm>>) dst(%arg18 : memref<512xi32, #tpu.memory_space<vmem>>)
      tpu.yield
    }) : () -> ()
    %dma_start3A = arith.constant 0 : i32
    %dma_start3A_3 = arith.constant 0 : i32
    %dma_start3A_4 = tpu.memref_slice %arg4[%dma_start3A, %dma_start3A_3] : memref<100000x32xi32, #tpu.memory_space<hbm>> -> memref<100000x32xi32, #tpu.memory_space<hbm>>
    tpu.enqueue_indirect_dma source(%dma_start3A_4 : memref<100000x32xi32, #tpu.memory_space<hbm>>) target(%arg19 : memref<512x32xi32, #tpu.memory_space<vmem>>) offsets(%arg18 : memref<512xi32, #tpu.memory_space<vmem>>) semaphore(%arg27 : memref<!tpu.dma_semaphore, #tpu.memory_space<semaphore_mem>>)
    %dma_start3A_5 = arith.constant 0 : i32
    %dma_start3A_6 = arith.constant 0 : i32
    %dma_start3A_7 = tpu.memref_slice %arg5[%dma_start3A_5, %dma_start3A_6] : memref<100000x32xf32, #tpu.memory_space<hbm>> -> memref<100000x32xf32, #tpu.memory_space<hbm>>
    tpu.enqueue_indirect_dma source(%dma_start3A_7 : memref<100000x32xf32, #tpu.memory_space<hbm>>) target(%arg20 : memref<512x32xf32, #tpu.memory_space<vmem>>) offsets(%arg18 : memref<512xi32, #tpu.memory_space<vmem>>) semaphore(%arg27 : memref<!tpu.dma_semaphore, #tpu.memory_space<semaphore_mem>>)
    %mul3A_8 = arith.constant 8192 : i32
    %mul3A_9 = arith.muli %add3A, %mul3A_8 : i32
    "tpu.region"() ({
      %run_scoped3A = tpu.sem_alloc : memref<!tpu.dma_semaphore, #tpu.memory_space<semaphore_mem>>
      %dma_start3A_62 = tpu.memref_slice %arg6[%mul3A_9] : memref<262144xi32, #tpu.memory_space<hbm>> -> memref<8192xi32, #tpu.memory_space<hbm>>
      %dma_start3A_63 = tpu.memref_slice %arg6[%mul3A_9] : memref<262144xi32, #tpu.memory_space<hbm>> -> memref<8192xi32, #tpu.memory_space<hbm>>
      tpu.enqueue_dma source(%dma_start3A_63 : memref<8192xi32, #tpu.memory_space<hbm>>) target(%arg21 : memref<8192xi32, #tpu.memory_space<vmem>>) target_semaphore(%run_scoped3A : memref<!tpu.dma_semaphore, #tpu.memory_space<semaphore_mem>>)
      %dma_wait3A_64 = tpu.memref_slice %arg6[%mul3A_9] : memref<262144xi32, #tpu.memory_space<hbm>> -> memref<8192xi32, #tpu.memory_space<hbm>>
      %dma_wait3A_65 = tpu.memref_slice %arg6[%mul3A_9] : memref<262144xi32, #tpu.memory_space<hbm>> -> memref<8192xi32, #tpu.memory_space<hbm>>
      tpu.wait_dma2 semaphore(%run_scoped3A : memref<!tpu.dma_semaphore, #tpu.memory_space<semaphore_mem>>) src(%dma_wait3A_65 : memref<8192xi32, #tpu.memory_space<hbm>>) dst(%arg21 : memref<8192xi32, #tpu.memory_space<vmem>>)
      tpu.yield
    }) : () -> ()
    %dma_wait3A = arith.constant 0 : i32
    %dma_wait3A_10 = arith.constant 0 : i32
    %dma_wait3A_11 = tpu.memref_slice %arg4[%dma_wait3A, %dma_wait3A_10] : memref<100000x32xi32, #tpu.memory_space<hbm>> -> memref<100000x32xi32, #tpu.memory_space<hbm>>
    tpu.wait_indirect_dma semaphore(%arg27 : memref<!tpu.dma_semaphore, #tpu.memory_space<semaphore_mem>>) src(%dma_wait3A_11 : memref<100000x32xi32, #tpu.memory_space<hbm>>) dst(%arg19 : memref<512x32xi32, #tpu.memory_space<vmem>>)
    %dma_wait3A_12 = arith.constant 0 : i32
    %dma_wait3A_13 = arith.constant 0 : i32
    %dma_wait3A_14 = tpu.memref_slice %arg5[%dma_wait3A_12, %dma_wait3A_13] : memref<100000x32xf32, #tpu.memory_space<hbm>> -> memref<100000x32xf32, #tpu.memory_space<hbm>>
    tpu.wait_indirect_dma semaphore(%arg27 : memref<!tpu.dma_semaphore, #tpu.memory_space<semaphore_mem>>) src(%dma_wait3A_14 : memref<100000x32xf32, #tpu.memory_space<hbm>>) dst(%arg20 : memref<512x32xf32, #tpu.memory_space<vmem>>)
    %scan3A = arith.constant 0 : i32
    %scan3A_15 = arith.constant 0 : i32
    %scan3A_16 = arith.constant 512 : i32
    %scan3A_17 = arith.addi %scan3A_15, %scan3A_16 : i32
    %scan3A_18 = arith.constant 1 : i32
    scf.for %scan3A_62 = %scan3A_15 to %scan3A_17 step %scan3A_18  : i32 {
      %mul3A_63 = arith.constant 16 : i32
      %mul3A_64 = arith.muli %scan3A_62, %mul3A_63 : i32
      %add3A_65 = arith.constant 0 : i32
      %add3A_66 = arith.addi %add3A_65, %mul3A_64 : i32
      %get3A = arith.index_cast %add3A_66 : i32 to index
      %get3A_67 = tpu.vector_load %arg21[%get3A] {strides = array<i32>} : memref<8192xi32, #tpu.memory_space<vmem>>, vector<16xi32>,
      %shift_right_logical3A = arith.constant 5 : i32
      %shift_right_logical3A_68 = vector.broadcast %shift_right_logical3A : i32 to vector<16xi32>
      %shift_right_logical3A_69 = arith.shrui %get3A_67, %shift_right_logical3A_68 : vector<16xi32>
      %and3A = arith.constant 31 : i32
      %and3A_70 = vector.broadcast %and3A : i32 to vector<16xi32>
      %and3A_71 = arith.andi %get3A_67, %and3A_70 : vector<16xi32>
      %gather3A = tpu.vector_load_idx %arg19[%shift_right_logical3A_69, %and3A_71] : memref<512x32xi32, #tpu.memory_space<vmem>>[vector<16xi32>, vector<16xi32>], vector<16xi32>,
      %swap3A = arith.index_cast %add3A_66 : i32 to index
      %swap3A_72 = tpu.vector_load %arg22[%swap3A] {strides = array<i32>} : memref<8192xi32, #tpu.memory_space<vmem>>, vector<16xi32>,
      tpu.vector_store %arg22[%swap3A], %gather3A {strides = array<i32>} : memref<8192xi32, #tpu.memory_space<vmem>>, vector<16xi32>,
      %gather3A_73 = tpu.vector_load_idx %arg20[%shift_right_logical3A_69, %and3A_71] : memref<512x32xf32, #tpu.memory_space<vmem>>[vector<16xi32>, vector<16xi32>], vector<16xf32>,
      %swap3A_74 = arith.index_cast %add3A_66 : i32 to index
      %swap3A_75 = tpu.vector_load %arg23[%swap3A_74] {strides = array<i32>} : memref<8192xf32, #tpu.memory_space<vmem>>, vector<16xf32>,
      tpu.vector_store %arg23[%swap3A_74], %gather3A_73 {strides = array<i32>} : memref<8192xf32, #tpu.memory_space<vmem>>, vector<16xf32>,
    }
    %scan3A_19 = arith.constant 512 : i32
    %mul3A_20 = arith.constant 8192 : i32
    %mul3A_21 = arith.muli %add3A, %mul3A_20 : i32
    "tpu.region"() ({
      %run_scoped3A = tpu.sem_alloc : memref<!tpu.dma_semaphore, #tpu.memory_space<semaphore_mem>>
      %dma_start3A_62 = tpu.memref_slice %arg10[%mul3A_21] : memref<262144xi32, #tpu.memory_space<hbm>> -> memref<8192xi32, #tpu.memory_space<hbm>>
      %dma_start3A_63 = tpu.memref_slice %arg10[%mul3A_21] : memref<262144xi32, #tpu.memory_space<hbm>> -> memref<8192xi32, #tpu.memory_space<hbm>>
      tpu.enqueue_dma source(%arg22 : memref<8192xi32, #tpu.memory_space<vmem>>) target(%dma_start3A_63 : memref<8192xi32, #tpu.memory_space<hbm>>) target_semaphore(%run_scoped3A : memref<!tpu.dma_semaphore, #tpu.memory_space<semaphore_mem>>)
      %dma_wait3A_64 = tpu.memref_slice %arg10[%mul3A_21] : memref<262144xi32, #tpu.memory_space<hbm>> -> memref<8192xi32, #tpu.memory_space<hbm>>
      %dma_wait3A_65 = tpu.memref_slice %arg10[%mul3A_21] : memref<262144xi32, #tpu.memory_space<hbm>> -> memref<8192xi32, #tpu.memory_space<hbm>>
      tpu.wait_dma2 semaphore(%run_scoped3A : memref<!tpu.dma_semaphore, #tpu.memory_space<semaphore_mem>>) src(%arg22 : memref<8192xi32, #tpu.memory_space<vmem>>) dst(%dma_wait3A_65 : memref<8192xi32, #tpu.memory_space<hbm>>)
      tpu.yield
    }) : () -> ()
    %mul3A_22 = arith.constant 8192 : i32
    %mul3A_23 = arith.muli %add3A, %mul3A_22 : i32
    "tpu.region"() ({
      %run_scoped3A = tpu.sem_alloc : memref<!tpu.dma_semaphore, #tpu.memory_space<semaphore_mem>>
      %dma_start3A_62 = tpu.memref_slice %arg11[%mul3A_23] : memref<262144xf32, #tpu.memory_space<hbm>> -> memref<8192xf32, #tpu.memory_space<hbm>>
      %dma_start3A_63 = tpu.memref_slice %arg11[%mul3A_23] : memref<262144xf32, #tpu.memory_space<hbm>> -> memref<8192xf32, #tpu.memory_space<hbm>>
      tpu.enqueue_dma source(%arg23 : memref<8192xf32, #tpu.memory_space<vmem>>) target(%dma_start3A_63 : memref<8192xf32, #tpu.memory_space<hbm>>) target_semaphore(%run_scoped3A : memref<!tpu.dma_semaphore, #tpu.memory_space<semaphore_mem>>)
      %dma_wait3A_64 = tpu.memref_slice %arg11[%mul3A_23] : memref<262144xf32, #tpu.memory_space<hbm>> -> memref<8192xf32, #tpu.memory_space<hbm>>
      %dma_wait3A_65 = tpu.memref_slice %arg11[%mul3A_23] : memref<262144xf32, #tpu.memory_space<hbm>> -> memref<8192xf32, #tpu.memory_space<hbm>>
      tpu.wait_dma2 semaphore(%run_scoped3A : memref<!tpu.dma_semaphore, #tpu.memory_space<semaphore_mem>>) src(%arg23 : memref<8192xf32, #tpu.memory_space<vmem>>) dst(%dma_wait3A_65 : memref<8192xf32, #tpu.memory_space<hbm>>)
      tpu.yield
    }) : () -> ()
    %scan3A_24 = arith.constant 0 : i32
    %scan3A_25 = arith.constant 0 : i32
    %scan3A_26 = arith.constant 16 : i32
    %scan3A_27 = arith.addi %scan3A_25, %scan3A_26 : i32
    %scan3A_28 = arith.constant 1 : i32
    scf.for %scan3A_62 = %scan3A_25 to %scan3A_27 step %scan3A_28  : i32 {
      %mul3A_63 = arith.constant 512 : i32
      %mul3A_64 = arith.muli %scan3A_62, %mul3A_63 : i32
      %dma_start3A_65 = tpu.memref_slice %arg22[%mul3A_64] : memref<8192xi32, #tpu.memory_space<vmem>> -> memref<512xi32, #tpu.memory_space<vmem>>
      %dma_start3A_66 = arith.constant 0 : i32
      %dma_start3A_67 = arith.constant 0 : i32
      %dma_start3A_68 = tpu.memref_slice %arg4[%dma_start3A_66, %dma_start3A_67] : memref<100000x32xi32, #tpu.memory_space<hbm>> -> memref<100000x32xi32, #tpu.memory_space<hbm>>
      tpu.enqueue_indirect_dma source(%dma_start3A_68 : memref<100000x32xi32, #tpu.memory_space<hbm>>) target(%arg19 : memref<512x32xi32, #tpu.memory_space<vmem>>) offsets(%dma_start3A_65 : memref<512xi32, #tpu.memory_space<vmem>>) semaphore(%arg27 : memref<!tpu.dma_semaphore, #tpu.memory_space<semaphore_mem>>)
      %mul3A_69 = arith.constant 512 : i32
      %mul3A_70 = arith.muli %scan3A_62, %mul3A_69 : i32
      %dma_start3A_71 = tpu.memref_slice %arg22[%mul3A_70] : memref<8192xi32, #tpu.memory_space<vmem>> -> memref<512xi32, #tpu.memory_space<vmem>>
      %dma_start3A_72 = arith.constant 0 : i32
      %dma_start3A_73 = arith.constant 0 : i32
      %dma_start3A_74 = tpu.memref_slice %arg5[%dma_start3A_72, %dma_start3A_73] : memref<100000x32xf32, #tpu.memory_space<hbm>> -> memref<100000x32xf32, #tpu.memory_space<hbm>>
      tpu.enqueue_indirect_dma source(%dma_start3A_74 : memref<100000x32xf32, #tpu.memory_space<hbm>>) target(%arg20 : memref<512x32xf32, #tpu.memory_space<vmem>>) offsets(%dma_start3A_71 : memref<512xi32, #tpu.memory_space<vmem>>) semaphore(%arg27 : memref<!tpu.dma_semaphore, #tpu.memory_space<semaphore_mem>>)
      %mul3A_75 = arith.constant 65536 : i32
      %mul3A_76 = arith.muli %add3A, %mul3A_75 : i32
      %mul3A_77 = arith.constant 4096 : i32
      %mul3A_78 = arith.muli %scan3A_62, %mul3A_77 : i32
      %add3A_79 = arith.addi %mul3A_76, %mul3A_78 : i32
      "tpu.region"() ({
        %run_scoped3A = tpu.sem_alloc : memref<!tpu.dma_semaphore, #tpu.memory_space<semaphore_mem>>
        %dma_start3A_94 = tpu.memref_slice %arg8[%add3A_79] : memref<2097152xi32, #tpu.memory_space<hbm>> -> memref<4096xi32, #tpu.memory_space<hbm>>
        %dma_start3A_95 = tpu.memref_slice %arg8[%add3A_79] : memref<2097152xi32, #tpu.memory_space<hbm>> -> memref<4096xi32, #tpu.memory_space<hbm>>
        tpu.enqueue_dma source(%dma_start3A_95 : memref<4096xi32, #tpu.memory_space<hbm>>) target(%arg24 : memref<4096xi32, #tpu.memory_space<vmem>>) target_semaphore(%run_scoped3A : memref<!tpu.dma_semaphore, #tpu.memory_space<semaphore_mem>>)
        %dma_wait3A_96 = tpu.memref_slice %arg8[%add3A_79] : memref<2097152xi32, #tpu.memory_space<hbm>> -> memref<4096xi32, #tpu.memory_space<hbm>>
        %dma_wait3A_97 = tpu.memref_slice %arg8[%add3A_79] : memref<2097152xi32, #tpu.memory_space<hbm>> -> memref<4096xi32, #tpu.memory_space<hbm>>
        tpu.wait_dma2 semaphore(%run_scoped3A : memref<!tpu.dma_semaphore, #tpu.memory_space<semaphore_mem>>) src(%dma_wait3A_97 : memref<4096xi32, #tpu.memory_space<hbm>>) dst(%arg24 : memref<4096xi32, #tpu.memory_space<vmem>>)
        tpu.yield
      }) : () -> ()
      %dma_wait3A_80 = tpu.memref_slice %arg22[%mul3A_64] : memref<8192xi32, #tpu.memory_space<vmem>> -> memref<512xi32, #tpu.memory_space<vmem>>
      %dma_wait3A_81 = arith.constant 0 : i32
      %dma_wait3A_82 = arith.constant 0 : i32
      %dma_wait3A_83 = tpu.memref_slice %arg4[%dma_wait3A_81, %dma_wait3A_82] : memref<100000x32xi32, #tpu.memory_space<hbm>> -> memref<100000x32xi32, #tpu.memory_space<hbm>>
      tpu.wait_indirect_dma semaphore(%arg27 : memref<!tpu.dma_semaphore, #tpu.memory_space<semaphore_mem>>) src(%dma_wait3A_83 : memref<100000x32xi32, #tpu.memory_space<hbm>>) dst(%arg19 : memref<512x32xi32, #tpu.memory_space<vmem>>)
      %dma_wait3A_84 = tpu.memref_slice %arg22[%mul3A_70] : memref<8192xi32, #tpu.memory_space<vmem>> -> memref<512xi32, #tpu.memory_space<vmem>>
      %dma_wait3A_85 = arith.constant 0 : i32
      %dma_wait3A_86 = arith.constant 0 : i32
      %dma_wait3A_87 = tpu.memref_slice %arg5[%dma_wait3A_85, %dma_wait3A_86] : memref<100000x32xf32, #tpu.memory_space<hbm>> -> memref<100000x32xf32, #tpu.memory_space<hbm>>
      tpu.wait_indirect_dma semaphore(%arg27 : memref<!tpu.dma_semaphore, #tpu.memory_space<semaphore_mem>>) src(%dma_wait3A_87 : memref<100000x32xf32, #tpu.memory_space<hbm>>) dst(%arg20 : memref<512x32xf32, #tpu.memory_space<vmem>>)
      %scan3A_88 = arith.constant 0 : i32
      %scan3A_89 = arith.constant 0 : i32
      %scan3A_90 = arith.constant 256 : i32
      %scan3A_91 = arith.addi %scan3A_89, %scan3A_90 : i32
      %scan3A_92 = arith.constant 1 : i32
      scf.for %scan3A_94 = %scan3A_89 to %scan3A_91 step %scan3A_92  : i32 {
        %mul3A_95 = arith.constant 16 : i32
        %mul3A_96 = arith.muli %scan3A_94, %mul3A_95 : i32
        %add3A_97 = arith.constant 0 : i32
        %add3A_98 = arith.addi %add3A_97, %mul3A_96 : i32
        %get3A = arith.index_cast %add3A_98 : i32 to index
        %get3A_99 = tpu.vector_load %arg24[%get3A] {strides = array<i32>} : memref<4096xi32, #tpu.memory_space<vmem>>, vector<16xi32>,
        %shift_right_logical3A = arith.constant 5 : i32
        %shift_right_logical3A_100 = vector.broadcast %shift_right_logical3A : i32 to vector<16xi32>
        %shift_right_logical3A_101 = arith.shrui %get3A_99, %shift_right_logical3A_100 : vector<16xi32>
        %and3A = arith.constant 31 : i32
        %and3A_102 = vector.broadcast %and3A : i32 to vector<16xi32>
        %and3A_103 = arith.andi %get3A_99, %and3A_102 : vector<16xi32>
        %gather3A = tpu.vector_load_idx %arg19[%shift_right_logical3A_101, %and3A_103] : memref<512x32xi32, #tpu.memory_space<vmem>>[vector<16xi32>, vector<16xi32>], vector<16xi32>,
        %swap3A = arith.index_cast %add3A_98 : i32 to index
        %swap3A_104 = tpu.vector_load %arg25[%swap3A] {strides = array<i32>} : memref<4096xi32, #tpu.memory_space<vmem>>, vector<16xi32>,
        tpu.vector_store %arg25[%swap3A], %gather3A {strides = array<i32>} : memref<4096xi32, #tpu.memory_space<vmem>>, vector<16xi32>,
        %gather3A_105 = tpu.vector_load_idx %arg20[%shift_right_logical3A_101, %and3A_103] : memref<512x32xf32, #tpu.memory_space<vmem>>[vector<16xi32>, vector<16xi32>], vector<16xf32>,
        %swap3A_106 = arith.index_cast %add3A_98 : i32 to index
        %swap3A_107 = tpu.vector_load %arg26[%swap3A_106] {strides = array<i32>} : memref<4096xf32, #tpu.memory_space<vmem>>, vector<16xf32>,
        tpu.vector_store %arg26[%swap3A_106], %gather3A_105 {strides = array<i32>} : memref<4096xf32, #tpu.memory_space<vmem>>, vector<16xf32>,
      }
      %scan3A_93 = arith.constant 256 : i32
      "tpu.region"() ({
        %run_scoped3A = tpu.sem_alloc : memref<!tpu.dma_semaphore, #tpu.memory_space<semaphore_mem>>
        %dma_start3A_94 = tpu.memref_slice %arg14[%add3A_79] : memref<2097152xi32, #tpu.memory_space<hbm>> -> memref<4096xi32, #tpu.memory_space<hbm>>
        %dma_start3A_95 = tpu.memref_slice %arg14[%add3A_79] : memref<2097152xi32, #tpu.memory_space<hbm>> -> memref<4096xi32, #tpu.memory_space<hbm>>
        tpu.enqueue_dma source(%arg25 : memref<4096xi32, #tpu.memory_space<vmem>>) target(%dma_start3A_95 : memref<4096xi32, #tpu.memory_space<hbm>>) target_semaphore(%run_scoped3A : memref<!tpu.dma_semaphore, #tpu.memory_space<semaphore_mem>>)
        %dma_wait3A_96 = tpu.memref_slice %arg14[%add3A_79] : memref<2097152xi32, #tpu.memory_space<hbm>> -> memref<4096xi32, #tpu.memory_space<hbm>>
        %dma_wait3A_97 = tpu.memref_slice %arg14[%add3A_79] : memref<2097152xi32, #tpu.memory_space<hbm>> -> memref<4096xi32, #tpu.memory_space<hbm>>
        tpu.wait_dma2 semaphore(%run_scoped3A : memref<!tpu.dma_semaphore, #tpu.memory_space<semaphore_mem>>) src(%arg25 : memref<4096xi32, #tpu.memory_space<vmem>>) dst(%dma_wait3A_97 : memref<4096xi32, #tpu.memory_space<hbm>>)
        tpu.yield
      }) : () -> ()
      "tpu.region"() ({
        %run_scoped3A = tpu.sem_alloc : memref<!tpu.dma_semaphore, #tpu.memory_space<semaphore_mem>>
        %dma_start3A_94 = tpu.memref_slice %arg15[%add3A_79] : memref<2097152xf32, #tpu.memory_space<hbm>> -> memref<4096xf32, #tpu.memory_space<hbm>>
        %dma_start3A_95 = tpu.memref_slice %arg15[%add3A_79] : memref<2097152xf32, #tpu.memory_space<hbm>> -> memref<4096xf32, #tpu.memory_space<hbm>>
        tpu.enqueue_dma source(%arg26 : memref<4096xf32, #tpu.memory_space<vmem>>) target(%dma_start3A_95 : memref<4096xf32, #tpu.memory_space<hbm>>) target_semaphore(%run_scoped3A : memref<!tpu.dma_semaphore, #tpu.memory_space<semaphore_mem>>)
        %dma_wait3A_96 = tpu.memref_slice %arg15[%add3A_79] : memref<2097152xf32, #tpu.memory_space<hbm>> -> memref<4096xf32, #tpu.memory_space<hbm>>
        %dma_wait3A_97 = tpu.memref_slice %arg15[%add3A_79] : memref<2097152xf32, #tpu.memory_space<hbm>> -> memref<4096xf32, #tpu.memory_space<hbm>>
        tpu.wait_dma2 semaphore(%run_scoped3A : memref<!tpu.dma_semaphore, #tpu.memory_space<semaphore_mem>>) src(%arg26 : memref<4096xf32, #tpu.memory_space<vmem>>) dst(%dma_wait3A_97 : memref<4096xf32, #tpu.memory_space<hbm>>)
        tpu.yield
      }) : () -> ()
    }
    %scan3A_29 = arith.constant 16 : i32
    %mul3A_30 = arith.constant 512 : i32
    %mul3A_31 = arith.muli %add3A, %mul3A_30 : i32
    "tpu.region"() ({
      %run_scoped3A = tpu.sem_alloc : memref<!tpu.dma_semaphore, #tpu.memory_space<semaphore_mem>>
      %dma_start3A_62 = tpu.memref_slice %arg3[%mul3A_31] : memref<16384xi32, #tpu.memory_space<hbm>> -> memref<512xi32, #tpu.memory_space<hbm>>
      %dma_start3A_63 = tpu.memref_slice %arg3[%mul3A_31] : memref<16384xi32, #tpu.memory_space<hbm>> -> memref<512xi32, #tpu.memory_space<hbm>>
      tpu.enqueue_dma source(%dma_start3A_63 : memref<512xi32, #tpu.memory_space<hbm>>) target(%arg18 : memref<512xi32, #tpu.memory_space<vmem>>) target_semaphore(%run_scoped3A : memref<!tpu.dma_semaphore, #tpu.memory_space<semaphore_mem>>)
      %dma_wait3A_64 = tpu.memref_slice %arg3[%mul3A_31] : memref<16384xi32, #tpu.memory_space<hbm>> -> memref<512xi32, #tpu.memory_space<hbm>>
      %dma_wait3A_65 = tpu.memref_slice %arg3[%mul3A_31] : memref<16384xi32, #tpu.memory_space<hbm>> -> memref<512xi32, #tpu.memory_space<hbm>>
      tpu.wait_dma2 semaphore(%run_scoped3A : memref<!tpu.dma_semaphore, #tpu.memory_space<semaphore_mem>>) src(%dma_wait3A_65 : memref<512xi32, #tpu.memory_space<hbm>>) dst(%arg18 : memref<512xi32, #tpu.memory_space<vmem>>)
      tpu.yield
    }) : () -> ()
    %dma_start3A_32 = arith.constant 0 : i32
    %dma_start3A_33 = arith.constant 0 : i32
    %dma_start3A_34 = tpu.memref_slice %arg4[%dma_start3A_32, %dma_start3A_33] : memref<100000x32xi32, #tpu.memory_space<hbm>> -> memref<100000x32xi32, #tpu.memory_space<hbm>>
    tpu.enqueue_indirect_dma source(%dma_start3A_34 : memref<100000x32xi32, #tpu.memory_space<hbm>>) target(%arg19 : memref<512x32xi32, #tpu.memory_space<vmem>>) offsets(%arg18 : memref<512xi32, #tpu.memory_space<vmem>>) semaphore(%arg27 : memref<!tpu.dma_semaphore, #tpu.memory_space<semaphore_mem>>)
    %dma_start3A_35 = arith.constant 0 : i32
    %dma_start3A_36 = arith.constant 0 : i32
    %dma_start3A_37 = tpu.memref_slice %arg5[%dma_start3A_35, %dma_start3A_36] : memref<100000x32xf32, #tpu.memory_space<hbm>> -> memref<100000x32xf32, #tpu.memory_space<hbm>>
    tpu.enqueue_indirect_dma source(%dma_start3A_37 : memref<100000x32xf32, #tpu.memory_space<hbm>>) target(%arg20 : memref<512x32xf32, #tpu.memory_space<vmem>>) offsets(%arg18 : memref<512xi32, #tpu.memory_space<vmem>>) semaphore(%arg27 : memref<!tpu.dma_semaphore, #tpu.memory_space<semaphore_mem>>)
    %mul3A_38 = arith.constant 8192 : i32
    %mul3A_39 = arith.muli %add3A, %mul3A_38 : i32
    "tpu.region"() ({
      %run_scoped3A = tpu.sem_alloc : memref<!tpu.dma_semaphore, #tpu.memory_space<semaphore_mem>>
      %dma_start3A_62 = tpu.memref_slice %arg7[%mul3A_39] : memref<262144xi32, #tpu.memory_space<hbm>> -> memref<8192xi32, #tpu.memory_space<hbm>>
      %dma_start3A_63 = tpu.memref_slice %arg7[%mul3A_39] : memref<262144xi32, #tpu.memory_space<hbm>> -> memref<8192xi32, #tpu.memory_space<hbm>>
      tpu.enqueue_dma source(%dma_start3A_63 : memref<8192xi32, #tpu.memory_space<hbm>>) target(%arg21 : memref<8192xi32, #tpu.memory_space<vmem>>) target_semaphore(%run_scoped3A : memref<!tpu.dma_semaphore, #tpu.memory_space<semaphore_mem>>)
      %dma_wait3A_64 = tpu.memref_slice %arg7[%mul3A_39] : memref<262144xi32, #tpu.memory_space<hbm>> -> memref<8192xi32, #tpu.memory_space<hbm>>
      %dma_wait3A_65 = tpu.memref_slice %arg7[%mul3A_39] : memref<262144xi32, #tpu.memory_space<hbm>> -> memref<8192xi32, #tpu.memory_space<hbm>>
      tpu.wait_dma2 semaphore(%run_scoped3A : memref<!tpu.dma_semaphore, #tpu.memory_space<semaphore_mem>>) src(%dma_wait3A_65 : memref<8192xi32, #tpu.memory_space<hbm>>) dst(%arg21 : memref<8192xi32, #tpu.memory_space<vmem>>)
      tpu.yield
    }) : () -> ()
    %dma_wait3A_40 = arith.constant 0 : i32
    %dma_wait3A_41 = arith.constant 0 : i32
    %dma_wait3A_42 = tpu.memref_slice %arg4[%dma_wait3A_40, %dma_wait3A_41] : memref<100000x32xi32, #tpu.memory_space<hbm>> -> memref<100000x32xi32, #tpu.memory_space<hbm>>
    tpu.wait_indirect_dma semaphore(%arg27 : memref<!tpu.dma_semaphore, #tpu.memory_space<semaphore_mem>>) src(%dma_wait3A_42 : memref<100000x32xi32, #tpu.memory_space<hbm>>) dst(%arg19 : memref<512x32xi32, #tpu.memory_space<vmem>>)
    %dma_wait3A_43 = arith.constant 0 : i32
    %dma_wait3A_44 = arith.constant 0 : i32
    %dma_wait3A_45 = tpu.memref_slice %arg5[%dma_wait3A_43, %dma_wait3A_44] : memref<100000x32xf32, #tpu.memory_space<hbm>> -> memref<100000x32xf32, #tpu.memory_space<hbm>>
    tpu.wait_indirect_dma semaphore(%arg27 : memref<!tpu.dma_semaphore, #tpu.memory_space<semaphore_mem>>) src(%dma_wait3A_45 : memref<100000x32xf32, #tpu.memory_space<hbm>>) dst(%arg20 : memref<512x32xf32, #tpu.memory_space<vmem>>)
    %scan3A_46 = arith.constant 0 : i32
    %scan3A_47 = arith.constant 0 : i32
    %scan3A_48 = arith.constant 512 : i32
    %scan3A_49 = arith.addi %scan3A_47, %scan3A_48 : i32
    %scan3A_50 = arith.constant 1 : i32
    scf.for %scan3A_62 = %scan3A_47 to %scan3A_49 step %scan3A_50  : i32 {
      %mul3A_63 = arith.constant 16 : i32
      %mul3A_64 = arith.muli %scan3A_62, %mul3A_63 : i32
      %add3A_65 = arith.constant 0 : i32
      %add3A_66 = arith.addi %add3A_65, %mul3A_64 : i32
      %get3A = arith.index_cast %add3A_66 : i32 to index
      %get3A_67 = tpu.vector_load %arg21[%get3A] {strides = array<i32>} : memref<8192xi32, #tpu.memory_space<vmem>>, vector<16xi32>,
      %shift_right_logical3A = arith.constant 5 : i32
      %shift_right_logical3A_68 = vector.broadcast %shift_right_logical3A : i32 to vector<16xi32>
      %shift_right_logical3A_69 = arith.shrui %get3A_67, %shift_right_logical3A_68 : vector<16xi32>
      %and3A = arith.constant 31 : i32
      %and3A_70 = vector.broadcast %and3A : i32 to vector<16xi32>
      %and3A_71 = arith.andi %get3A_67, %and3A_70 : vector<16xi32>
      %gather3A = tpu.vector_load_idx %arg19[%shift_right_logical3A_69, %and3A_71] : memref<512x32xi32, #tpu.memory_space<vmem>>[vector<16xi32>, vector<16xi32>], vector<16xi32>,
      %swap3A = arith.index_cast %add3A_66 : i32 to index
      %swap3A_72 = tpu.vector_load %arg22[%swap3A] {strides = array<i32>} : memref<8192xi32, #tpu.memory_space<vmem>>, vector<16xi32>,
      tpu.vector_store %arg22[%swap3A], %gather3A {strides = array<i32>} : memref<8192xi32, #tpu.memory_space<vmem>>, vector<16xi32>,
      %gather3A_73 = tpu.vector_load_idx %arg20[%shift_right_logical3A_69, %and3A_71] : memref<512x32xf32, #tpu.memory_space<vmem>>[vector<16xi32>, vector<16xi32>], vector<16xf32>,
      %swap3A_74 = arith.index_cast %add3A_66 : i32 to index
      %swap3A_75 = tpu.vector_load %arg23[%swap3A_74] {strides = array<i32>} : memref<8192xf32, #tpu.memory_space<vmem>>, vector<16xf32>,
      tpu.vector_store %arg23[%swap3A_74], %gather3A_73 {strides = array<i32>} : memref<8192xf32, #tpu.memory_space<vmem>>, vector<16xf32>,
    }
    %scan3A_51 = arith.constant 512 : i32
    %mul3A_52 = arith.constant 8192 : i32
    %mul3A_53 = arith.muli %add3A, %mul3A_52 : i32
    "tpu.region"() ({
      %run_scoped3A = tpu.sem_alloc : memref<!tpu.dma_semaphore, #tpu.memory_space<semaphore_mem>>
      %dma_start3A_62 = tpu.memref_slice %arg12[%mul3A_53] : memref<262144xi32, #tpu.memory_space<hbm>> -> memref<8192xi32, #tpu.memory_space<hbm>>
      %dma_start3A_63 = tpu.memref_slice %arg12[%mul3A_53] : memref<262144xi32, #tpu.memory_space<hbm>> -> memref<8192xi32, #tpu.memory_space<hbm>>
      tpu.enqueue_dma source(%arg22 : memref<8192xi32, #tpu.memory_space<vmem>>) target(%dma_start3A_63 : memref<8192xi32, #tpu.memory_space<hbm>>) target_semaphore(%run_scoped3A : memref<!tpu.dma_semaphore, #tpu.memory_space<semaphore_mem>>)
      %dma_wait3A_64 = tpu.memref_slice %arg12[%mul3A_53] : memref<262144xi32, #tpu.memory_space<hbm>> -> memref<8192xi32, #tpu.memory_space<hbm>>
      %dma_wait3A_65 = tpu.memref_slice %arg12[%mul3A_53] : memref<262144xi32, #tpu.memory_space<hbm>> -> memref<8192xi32, #tpu.memory_space<hbm>>
      tpu.wait_dma2 semaphore(%run_scoped3A : memref<!tpu.dma_semaphore, #tpu.memory_space<semaphore_mem>>) src(%arg22 : memref<8192xi32, #tpu.memory_space<vmem>>) dst(%dma_wait3A_65 : memref<8192xi32, #tpu.memory_space<hbm>>)
      tpu.yield
    }) : () -> ()
    %mul3A_54 = arith.constant 8192 : i32
    %mul3A_55 = arith.muli %add3A, %mul3A_54 : i32
    "tpu.region"() ({
      %run_scoped3A = tpu.sem_alloc : memref<!tpu.dma_semaphore, #tpu.memory_space<semaphore_mem>>
      %dma_start3A_62 = tpu.memref_slice %arg13[%mul3A_55] : memref<262144xf32, #tpu.memory_space<hbm>> -> memref<8192xf32, #tpu.memory_space<hbm>>
      %dma_start3A_63 = tpu.memref_slice %arg13[%mul3A_55] : memref<262144xf32, #tpu.memory_space<hbm>> -> memref<8192xf32, #tpu.memory_space<hbm>>
      tpu.enqueue_dma source(%arg23 : memref<8192xf32, #tpu.memory_space<vmem>>) target(%dma_start3A_63 : memref<8192xf32, #tpu.memory_space<hbm>>) target_semaphore(%run_scoped3A : memref<!tpu.dma_semaphore, #tpu.memory_space<semaphore_mem>>)
      %dma_wait3A_64 = tpu.memref_slice %arg13[%mul3A_55] : memref<262144xf32, #tpu.memory_space<hbm>> -> memref<8192xf32, #tpu.memory_space<hbm>>
      %dma_wait3A_65 = tpu.memref_slice %arg13[%mul3A_55] : memref<262144xf32, #tpu.memory_space<hbm>> -> memref<8192xf32, #tpu.memory_space<hbm>>
      tpu.wait_dma2 semaphore(%run_scoped3A : memref<!tpu.dma_semaphore, #tpu.memory_space<semaphore_mem>>) src(%arg23 : memref<8192xf32, #tpu.memory_space<vmem>>) dst(%dma_wait3A_65 : memref<8192xf32, #tpu.memory_space<hbm>>)
      tpu.yield
    }) : () -> ()
    %scan3A_56 = arith.constant 0 : i32
    %scan3A_57 = arith.constant 0 : i32
    %scan3A_58 = arith.constant 16 : i32
    %scan3A_59 = arith.addi %scan3A_57, %scan3A_58 : i32
    %scan3A_60 = arith.constant 1 : i32
    scf.for %scan3A_62 = %scan3A_57 to %scan3A_59 step %scan3A_60  : i32 {
      %mul3A_63 = arith.constant 512 : i32
      %mul3A_64 = arith.muli %scan3A_62, %mul3A_63 : i32
      %dma_start3A_65 = tpu.memref_slice %arg22[%mul3A_64] : memref<8192xi32, #tpu.memory_space<vmem>> -> memref<512xi32, #tpu.memory_space<vmem>>
      %dma_start3A_66 = arith.constant 0 : i32
      %dma_start3A_67 = arith.constant 0 : i32
      %dma_start3A_68 = tpu.memref_slice %arg4[%dma_start3A_66, %dma_start3A_67] : memref<100000x32xi32, #tpu.memory_space<hbm>> -> memref<100000x32xi32, #tpu.memory_space<hbm>>
      tpu.enqueue_indirect_dma source(%dma_start3A_68 : memref<100000x32xi32, #tpu.memory_space<hbm>>) target(%arg19 : memref<512x32xi32, #tpu.memory_space<vmem>>) offsets(%dma_start3A_65 : memref<512xi32, #tpu.memory_space<vmem>>) semaphore(%arg27 : memref<!tpu.dma_semaphore, #tpu.memory_space<semaphore_mem>>)
      %mul3A_69 = arith.constant 512 : i32
      %mul3A_70 = arith.muli %scan3A_62, %mul3A_69 : i32
      %dma_start3A_71 = tpu.memref_slice %arg22[%mul3A_70] : memref<8192xi32, #tpu.memory_space<vmem>> -> memref<512xi32, #tpu.memory_space<vmem>>
      %dma_start3A_72 = arith.constant 0 : i32
      %dma_start3A_73 = arith.constant 0 : i32
      %dma_start3A_74 = tpu.memref_slice %arg5[%dma_start3A_72, %dma_start3A_73] : memref<100000x32xf32, #tpu.memory_space<hbm>> -> memref<100000x32xf32, #tpu.memory_space<hbm>>
      tpu.enqueue_indirect_dma source(%dma_start3A_74 : memref<100000x32xf32, #tpu.memory_space<hbm>>) target(%arg20 : memref<512x32xf32, #tpu.memory_space<vmem>>) offsets(%dma_start3A_71 : memref<512xi32, #tpu.memory_space<vmem>>) semaphore(%arg27 : memref<!tpu.dma_semaphore, #tpu.memory_space<semaphore_mem>>)
      %mul3A_75 = arith.constant 65536 : i32
      %mul3A_76 = arith.muli %add3A, %mul3A_75 : i32
      %mul3A_77 = arith.constant 4096 : i32
      %mul3A_78 = arith.muli %scan3A_62, %mul3A_77 : i32
      %add3A_79 = arith.addi %mul3A_76, %mul3A_78 : i32
      "tpu.region"() ({
        %run_scoped3A = tpu.sem_alloc : memref<!tpu.dma_semaphore, #tpu.memory_space<semaphore_mem>>
        %dma_start3A_94 = tpu.memref_slice %arg9[%add3A_79] : memref<2097152xi32, #tpu.memory_space<hbm>> -> memref<4096xi32, #tpu.memory_space<hbm>>
        %dma_start3A_95 = tpu.memref_slice %arg9[%add3A_79] : memref<2097152xi32, #tpu.memory_space<hbm>> -> memref<4096xi32, #tpu.memory_space<hbm>>
        tpu.enqueue_dma source(%dma_start3A_95 : memref<4096xi32, #tpu.memory_space<hbm>>) target(%arg24 : memref<4096xi32, #tpu.memory_space<vmem>>) target_semaphore(%run_scoped3A : memref<!tpu.dma_semaphore, #tpu.memory_space<semaphore_mem>>)
        %dma_wait3A_96 = tpu.memref_slice %arg9[%add3A_79] : memref<2097152xi32, #tpu.memory_space<hbm>> -> memref<4096xi32, #tpu.memory_space<hbm>>
        %dma_wait3A_97 = tpu.memref_slice %arg9[%add3A_79] : memref<2097152xi32, #tpu.memory_space<hbm>> -> memref<4096xi32, #tpu.memory_space<hbm>>
        tpu.wait_dma2 semaphore(%run_scoped3A : memref<!tpu.dma_semaphore, #tpu.memory_space<semaphore_mem>>) src(%dma_wait3A_97 : memref<4096xi32, #tpu.memory_space<hbm>>) dst(%arg24 : memref<4096xi32, #tpu.memory_space<vmem>>)
        tpu.yield
      }) : () -> ()
      %dma_wait3A_80 = tpu.memref_slice %arg22[%mul3A_64] : memref<8192xi32, #tpu.memory_space<vmem>> -> memref<512xi32, #tpu.memory_space<vmem>>
      %dma_wait3A_81 = arith.constant 0 : i32
      %dma_wait3A_82 = arith.constant 0 : i32
      %dma_wait3A_83 = tpu.memref_slice %arg4[%dma_wait3A_81, %dma_wait3A_82] : memref<100000x32xi32, #tpu.memory_space<hbm>> -> memref<100000x32xi32, #tpu.memory_space<hbm>>
      tpu.wait_indirect_dma semaphore(%arg27 : memref<!tpu.dma_semaphore, #tpu.memory_space<semaphore_mem>>) src(%dma_wait3A_83 : memref<100000x32xi32, #tpu.memory_space<hbm>>) dst(%arg19 : memref<512x32xi32, #tpu.memory_space<vmem>>)
      %dma_wait3A_84 = tpu.memref_slice %arg22[%mul3A_70] : memref<8192xi32, #tpu.memory_space<vmem>> -> memref<512xi32, #tpu.memory_space<vmem>>
      %dma_wait3A_85 = arith.constant 0 : i32
      %dma_wait3A_86 = arith.constant 0 : i32
      %dma_wait3A_87 = tpu.memref_slice %arg5[%dma_wait3A_85, %dma_wait3A_86] : memref<100000x32xf32, #tpu.memory_space<hbm>> -> memref<100000x32xf32, #tpu.memory_space<hbm>>
      tpu.wait_indirect_dma semaphore(%arg27 : memref<!tpu.dma_semaphore, #tpu.memory_space<semaphore_mem>>) src(%dma_wait3A_87 : memref<100000x32xf32, #tpu.memory_space<hbm>>) dst(%arg20 : memref<512x32xf32, #tpu.memory_space<vmem>>)
      %scan3A_88 = arith.constant 0 : i32
      %scan3A_89 = arith.constant 0 : i32
      %scan3A_90 = arith.constant 256 : i32
      %scan3A_91 = arith.addi %scan3A_89, %scan3A_90 : i32
      %scan3A_92 = arith.constant 1 : i32
      scf.for %scan3A_94 = %scan3A_89 to %scan3A_91 step %scan3A_92  : i32 {
        %mul3A_95 = arith.constant 16 : i32
        %mul3A_96 = arith.muli %scan3A_94, %mul3A_95 : i32
        %add3A_97 = arith.constant 0 : i32
        %add3A_98 = arith.addi %add3A_97, %mul3A_96 : i32
        %get3A = arith.index_cast %add3A_98 : i32 to index
        %get3A_99 = tpu.vector_load %arg24[%get3A] {strides = array<i32>} : memref<4096xi32, #tpu.memory_space<vmem>>, vector<16xi32>,
        %shift_right_logical3A = arith.constant 5 : i32
        %shift_right_logical3A_100 = vector.broadcast %shift_right_logical3A : i32 to vector<16xi32>
        %shift_right_logical3A_101 = arith.shrui %get3A_99, %shift_right_logical3A_100 : vector<16xi32>
        %and3A = arith.constant 31 : i32
        %and3A_102 = vector.broadcast %and3A : i32 to vector<16xi32>
        %and3A_103 = arith.andi %get3A_99, %and3A_102 : vector<16xi32>
        %gather3A = tpu.vector_load_idx %arg19[%shift_right_logical3A_101, %and3A_103] : memref<512x32xi32, #tpu.memory_space<vmem>>[vector<16xi32>, vector<16xi32>], vector<16xi32>,
        %swap3A = arith.index_cast %add3A_98 : i32 to index
        %swap3A_104 = tpu.vector_load %arg25[%swap3A] {strides = array<i32>} : memref<4096xi32, #tpu.memory_space<vmem>>, vector<16xi32>,
        tpu.vector_store %arg25[%swap3A], %gather3A {strides = array<i32>} : memref<4096xi32, #tpu.memory_space<vmem>>, vector<16xi32>,
        %gather3A_105 = tpu.vector_load_idx %arg20[%shift_right_logical3A_101, %and3A_103] : memref<512x32xf32, #tpu.memory_space<vmem>>[vector<16xi32>, vector<16xi32>], vector<16xf32>,
        %swap3A_106 = arith.index_cast %add3A_98 : i32 to index
        %swap3A_107 = tpu.vector_load %arg26[%swap3A_106] {strides = array<i32>} : memref<4096xf32, #tpu.memory_space<vmem>>, vector<16xf32>,
        tpu.vector_store %arg26[%swap3A_106], %gather3A_105 {strides = array<i32>} : memref<4096xf32, #tpu.memory_space<vmem>>, vector<16xf32>,
      }
      %scan3A_93 = arith.constant 256 : i32
      "tpu.region"() ({
        %run_scoped3A = tpu.sem_alloc : memref<!tpu.dma_semaphore, #tpu.memory_space<semaphore_mem>>
        %dma_start3A_94 = tpu.memref_slice %arg16[%add3A_79] : memref<2097152xi32, #tpu.memory_space<hbm>> -> memref<4096xi32, #tpu.memory_space<hbm>>
        %dma_start3A_95 = tpu.memref_slice %arg16[%add3A_79] : memref<2097152xi32, #tpu.memory_space<hbm>> -> memref<4096xi32, #tpu.memory_space<hbm>>
        tpu.enqueue_dma source(%arg25 : memref<4096xi32, #tpu.memory_space<vmem>>) target(%dma_start3A_95 : memref<4096xi32, #tpu.memory_space<hbm>>) target_semaphore(%run_scoped3A : memref<!tpu.dma_semaphore, #tpu.memory_space<semaphore_mem>>)
        %dma_wait3A_96 = tpu.memref_slice %arg16[%add3A_79] : memref<2097152xi32, #tpu.memory_space<hbm>> -> memref<4096xi32, #tpu.memory_space<hbm>>
        %dma_wait3A_97 = tpu.memref_slice %arg16[%add3A_79] : memref<2097152xi32, #tpu.memory_space<hbm>> -> memref<4096xi32, #tpu.memory_space<hbm>>
        tpu.wait_dma2 semaphore(%run_scoped3A : memref<!tpu.dma_semaphore, #tpu.memory_space<semaphore_mem>>) src(%arg25 : memref<4096xi32, #tpu.memory_space<vmem>>) dst(%dma_wait3A_97 : memref<4096xi32, #tpu.memory_space<hbm>>)
        tpu.yield
      }) : () -> ()
      "tpu.region"() ({
        %run_scoped3A = tpu.sem_alloc : memref<!tpu.dma_semaphore, #tpu.memory_space<semaphore_mem>>
        %dma_start3A_94 = tpu.memref_slice %arg17[%add3A_79] : memref<2097152xf32, #tpu.memory_space<hbm>> -> memref<4096xf32, #tpu.memory_space<hbm>>
        %dma_start3A_95 = tpu.memref_slice %arg17[%add3A_79] : memref<2097152xf32, #tpu.memory_space<hbm>> -> memref<4096xf32, #tpu.memory_space<hbm>>
        tpu.enqueue_dma source(%arg26 : memref<4096xf32, #tpu.memory_space<vmem>>) target(%dma_start3A_95 : memref<4096xf32, #tpu.memory_space<hbm>>) target_semaphore(%run_scoped3A : memref<!tpu.dma_semaphore, #tpu.memory_space<semaphore_mem>>)
        %dma_wait3A_96 = tpu.memref_slice %arg17[%add3A_79] : memref<2097152xf32, #tpu.memory_space<hbm>> -> memref<4096xf32, #tpu.memory_space<hbm>>
        %dma_wait3A_97 = tpu.memref_slice %arg17[%add3A_79] : memref<2097152xf32, #tpu.memory_space<hbm>> -> memref<4096xf32, #tpu.memory_space<hbm>>
        tpu.wait_dma2 semaphore(%run_scoped3A : memref<!tpu.dma_semaphore, #tpu.memory_space<semaphore_mem>>) src(%arg26 : memref<4096xf32, #tpu.memory_space<vmem>>) dst(%dma_wait3A_97 : memref<4096xf32, #tpu.memory_space<hbm>>)
        tpu.yield
      }) : () -> ()
    }
    %scan3A_61 = arith.constant 16 : i32
    return
  }
}

</mosaic_0001>

<sc_bundles>
// kernel: kernel.3.cloned.1.call-start
scs
__scs_entry_jumppad:
0x0: {  	(pc) =	sbr.rel $0x88, $3  }
0x1: {  	(tag) =	ssettag $0x0;
	lr =	simm.s32 $0x1  }
0x2: {  	[smem:$0x3F9D] =	sst lr;
	_ =	strace $0xD0000000  }
0x3: {  	_ = 	snop  }
0x4: {  	_ = 	snop  }
0x5: {  	_ = 	snop  }
0x6: {  	_ = 	snop  }
0x7: {  	_ = 	snop  }
__scs_overlays_trampoline_lowered:
0x8: {  	[smem:$0x3FAC] =	sst s0  }
0x9: {  	[smem:$0x3FAD] =	sst s1  }
0xa: {  	[smem:$0x3FAE] =	sst s2  }
0xb: {  	[smem:$0x3FAF] =	sst s3  }
0xc: {  	[smem:$0x3FB0] =	sst s4  }
0xd: {  	[smem:$0x3FB1] =	sst s5  }
0xe: {  	[smem:$0x3FB2] =	sst s6  }
0xf: {  	[smem:$0x3FB3] =	sst s7  }
0x10: {  	[smem:$0x3FB4] =	sst s8  }
0x11: {  	[smem:$0x3FB5] =	sst s9;
	s0 =	simm.s32 @!p0 $0x0  }
0x12: {  	s1 =	sld [smem:$0x3F9B];
	s0 =	simm.s32 @p0 $0x1  }
0x13: {  	[smem:$0x3FB6] =	sst s0;
	s0 =	simm.s32 @!p1 $0x0  }
0x14: {  	s2 =	sld [smem:$0x3F9A];
	s0 =	simm.s32 @p1 $0x1  }
0x15: {  	[smem:$0x3FB7] =	sst s0;
	s0 =	simm.s32 @!p2 $0x0  }
0x16: {  	s3 =	sld [smem:$0x3FDB];
	s0 =	simm.s32 @p2 $0x1  }
0x17: {  	s4 =	simm.s32 $0x1BF5;
	[smem:$0x3FB9] =	sst s0  }
0x18: {  	s0 =	sld [smem:$0x3F9C];
	_ =	swait.ge [sflag:s4], $0x0  }
0x19: {  	s7 =	sld [smem:$0x3F9D]  }
0x1a: {  	s8 =	sadd.s32 $0xFFFFE003, lr  }
0x1b: {  	s9 =	sadd.s32 $0xFFFFFEF7, lr;
	s5 =	simm.s32 $0xFFFFFFFF;
	p2 =	slt.u32 s8, $0xFFFFF086  }
0x1c: {  	p1 =	slt.u32 s9, $0xF7A;
	s5 =	simm.s32 @!p2 $0x0  }
0x1d: {  	s5 =	simm.s32 @p1 $0x1;
	p0 =	seq.s32 s7, s2  }
0x1e: {  	s7 =	smul.u32 @!p0 $0xF7A, s2;
	p2 =	seq.s32 @!p0 s5, $0x0  }
0x1f: {  	s9 =	smul.u32 $0xF7A, s1;
	s8 =	simm.s32 @!p0 $0x1BF5;
	p2 =	por !p2, p0  }
0x20: {  	[sflag:s8] =	ssyncset.s32 @!p0 $0xFFFFF086;
	s6 =	sadd.s32 @!p0 s3, s7;
	s7 =	simm.s32 @!p0 $0x108  }
0x21: {  	s3 =	sadd.s32 s3, s9;
	s6 =	sadd.s32 @!p0 $0x88, s6;
	s7 =	simm.s32 @p2 $0x1082  }
0x22: {  	[simem:s7], [sflag:s8] =	dma.local @!p0 [hbm:s6], $0xF7A  }
0x23: {  	s9 =	sor.u32 $0xD0000000, s2;
	s6 =	simm.s32 $0x108;
	_ =	swait.ge @!p0 [sflag:s8], $0x0  }
0x24: {  	s3 =	sadd.s32 $0x88, s3;
	s6 =	simm.s32 @!p1 $0x1082;
	[sflag:s4] =	ssyncset.s32 $0xFFFFF086  }
0x25: {  	[simem:s6], [sflag:s4] =	dma.local [hbm:s3], $0xF7A  }
0x26: {  	[smem:$0x3F9D] =	sst s1;
	(tag) =	ssettag s2;
	_ =	strace s9  }
0x27: {  	s1 =	sld [smem:$0x3FAD]  }
0x28: {  	s2 =	sld [smem:$0x3FAE]  }
0x29: {  	s4 =	sld [smem:$0x3FB0]  }
0x2a: {  	p0 =	seq.s32 s5, $0x0;
	s5 =	sld [smem:$0x3FB1]  }
0x2b: {  	s6 =	sld [smem:$0x3FB2]  }
0x2c: {  	s7 =	sld [smem:$0x3FB3]  }
0x2d: {  	s3 =	simm.s32 $0x108;
	s8 =	sld [smem:$0x3FB4]  }
0x2e: {  	s3 =	simm.s32 @!p0 $0x1082;
	s9 =	sld [smem:$0x3FB5]  }
0x2f: {  	lr =	sadd.s32 s0, s3;
	s0 =	sld [smem:$0x3FAC]  }
0x30: {  	s3 =	sld [smem:$0x3FAF]  }
0x31: {  	[smem:$0x3FB8] =	sst s10  }
0x32: {  	s10 =	sld [smem:$0x3FB6];
	_ =	sdelay $0x3  }
0x33: {  	p0 =	seq.s32 s10, $0x1;
	s10 =	sld [smem:$0x3FB8];
	_ =	sdelay $0x3  }
0x34: {  	[smem:$0x3FB8] =	sst s10  }
0x35: {  	s10 =	sld [smem:$0x3FB7];
	_ =	sdelay $0x3  }
0x36: {  	p1 =	seq.s32 s10, $0x1;
	s10 =	sld [smem:$0x3FB8];
	_ =	sdelay $0x3  }
0x37: {  	[smem:$0x3FB8] =	sst s10  }
0x38: {  	s10 =	sld [smem:$0x3FB9]  }
0x39: {  	_ = 	snop;
	(pc) =	sbr.ind lr, $3  }
0x3a: {  	_ = 	snop  }
0x3b: {  	_ = 	snop  }
0x3c: {  	p2 =	seq.s32 s10, $0x1;
	s10 =	sld [smem:$0x3FB8]  }
0x3d: {  	_ =	shalt  }
0x3e: {  	_ =	shalt  }
0x3f: {  	_ =	shalt  }
0x40: {  	_ =	shalt  }
0x41: {  	_ =	shalt  }
0x42: {  	_ =	shalt  }
0x43: {  	_ =	shalt  }
0x44: {  	_ =	shalt  }
0x45: {  	_ =	shalt  }
0x46: {  	_ =	shalt  }
0x47: {  	_ =	shalt  }
0x48: {  	_ =	shalt  }
0x49: {  	_ =	shalt  }
0x4a: {  	_ =	shalt  }
0x4b: {  	_ =	shalt  }
0x4c: {  	_ =	shalt  }
0x4d: {  	_ =	shalt  }
0x4e: {  	_ =	shalt  }
0x4f: {  	_ =	shalt  }
0x50: {  	_ =	shalt  }
0x51: {  	_ =	shalt  }
0x52: {  	_ =	shalt  }
0x53: {  	_ =	shalt  }
0x54: {  	_ =	shalt  }
0x55: {  	_ =	shalt  }
0x56: {  	_ =	shalt  }
0x57: {  	_ =	shalt  }
0x58: {  	_ =	shalt  }
0x59: {  	_ =	shalt  }
0x5a: {  	_ =	shalt  }
0x5b: {  	_ =	shalt  }
0x5c: {  	_ =	shalt  }
0x5d: {  	_ =	shalt  }
0x5e: {  	_ =	shalt  }
0x5f: {  	_ =	shalt  }
0x60: {  	_ =	shalt  }
0x61: {  	_ =	shalt  }
0x62: {  	_ =	shalt  }
0x63: {  	_ =	shalt  }
0x64: {  	_ =	shalt  }
0x65: {  	_ =	shalt  }
0x66: {  	_ =	shalt  }
0x67: {  	_ =	shalt  }
0x68: {  	_ =	shalt  }
0x69: {  	_ =	shalt  }
0x6a: {  	_ =	shalt  }
0x6b: {  	_ =	shalt  }
0x6c: {  	_ =	shalt  }
0x6d: {  	_ =	shalt  }
0x6e: {  	_ =	shalt  }
0x6f: {  	_ =	shalt  }
0x70: {  	_ =	shalt  }
0x71: {  	_ =	shalt  }
0x72: {  	_ =	shalt  }
0x73: {  	_ =	shalt  }
0x74: {  	_ =	shalt  }
0x75: {  	_ =	shalt  }
0x76: {  	_ =	shalt  }
0x77: {  	_ =	shalt  }
0x78: {  	_ =	shalt  }
0x79: {  	_ =	shalt  }
0x7a: {  	_ =	shalt  }
0x7b: {  	_ =	shalt  }
0x7c: {  	_ =	shalt  }
0x7d: {  	_ =	shalt  }
0x7e: {  	_ =	shalt  }
0x7f: {  	_ =	shalt  }
0x80: {  	_ =	shalt  }
0x81: {  	_ =	shalt  }
0x82: {  	_ =	shalt  }
0x83: {  	_ =	shalt  }
0x84: {  	_ =	shalt  }
0x85: {  	_ =	shalt  }
0x86: {  	_ =	shalt  }
0x87: {  	_ =	shalt  }
.Lfunc_end0:
.L_simem_size_0:
called_computation_lowered:
.L_overlay_start_0:
0x88: {  	s2 =	sld [smem:$0x3FD9]  }
0x89: {  	s3 =	sld [smem:$0x3FFE];
	_ =	sdelay $0x1  }
0x8a: {  	s1 =	srdreg.scid  }
0x8b: {  	s0 =	sand.u32 $0x1, s1  }
0x8c: {  	s14 =	sshll.u32 s0, $0xA;
	s2 =	sadd.s32 s3, s2  }
0x8d: {  	s2 =	sadd.s32 s2, s14  }
0x8e: {  	[smem:$0x3FC4] =	sst s2  }
0x8f: {  	_ = 	snop  }
0x90: {  	s2 =	sld [smem:$0x3FD0];
	_ =	sdelay $0x1  }
0x91: {  	s15 =	sld [smem:$0x3FC9]  }
0x92: {  	s5 =	simm.s32 $0xA;
	s6 =	simm.s32 $0x10;
	s4 =	sld [smem:$0x3FC8]  }
0x93: {  	[smem:s6], [sflag:s5] =	dma.local [hbm:s2], $0x1  }
0x94: {  	_ =	swait.eq [sflag:s5], $0x1  }
0x95: {  	s16 =	sld [smem:$0x12]  }
0x96: {  	s17 =	sld [smem:$0x13]  }
0x97: {  	s7 =	sld [smem:$0x14]  }
0x98: {  	s8 =	sld [smem:$0x15];
	[sflag:s5] =	ssyncset.done $0x0  }
0x99: {  	s9 =	sld [smem:$0x16];
	[sflag:s5] =	ssyncadd.s32 $0xFFFFFFFF  }
0x9a: {  	s18 =	sld [smem:$0x17];
	(tm) =	ssettm $0x1  }
0x9b: {  	s10 =	sld [smem:$0x3FFB];
	_ =	sdelay $0x3  }
0x9c: {  	_ =	strace s10  }
0x9d: {  	s10 =	sld [smem:$0x3FFC];
	_ =	sdelay $0x3  }
0x9e: {  	_ =	strace s10  }
0x9f: {  	s10 =	sld [smem:$0x3FFD];
	_ =	sdelay $0x3  }
0xa0: {  	_ =	strace s10  }
0xa1: {  	_ =	strace $0x8FFFFFFF  }
0xa2: {  	s19 =	sld [smem:$0x3FDB];
	_ =	sdelay $0x1  }
0xa3: {  	s11 =	simm.s32 $_scs_section_size  }
0xa4: {  	s12 =	simm.s32 $_size__tile_overlayer_lowered;
	s13 =	simm.s32 $_tile_overlayer_lowered  }
0xa5: {  	s22 =	simm.s32 $0x1BFF;
	s21 =	sshll.u32 s13, $0x1;
	s10 =	sadd.s32 s11, s19  }
0xa6: {  	s20 =	sshll.u32 s12, $0x1;
	s14 =	simm.s32 $0x0;
	s12 =	sadd.s32 s21, s10  }
0xa7: {  	[timem:s14], [sflag:s22] =	dma.local [hbm:s12], s20  }
0xa8: {  	_ =	swait.ge [sflag:s22], s20  }
0xa9: {  	s11 =	ssub.s32 $0x0, s20;
	[sflag:s22] =	ssyncset.done $0x0  }
0xaa: {  	[sflag:s22] =	ssyncadd.s32 s11;
	_ =	sdelay $0x1  }
0xab: {  	s23 =	simm.s32 $0x1B8B  }
0xac: {  	_ =	swait.ge [sflag:s23], $0x1  }
0xad: {  	[sflag:s23] =	ssyncset.done $0x0  }
0xae: {  	s25 =	simm.s32 $0x1B8E;
	s24 =	sld [smem:$0x3FFE];
	[sflag:s23] =	ssyncadd.s32 $0xFFFFFFFF  }
0xaf: {  	s26 =	simm.s32 $execute0_lowered;
	[smem:$0x3FD2] =	sst s25  }
0xb0: {  	s12 =	sshll.u32 s26, $0x1;
	_ =	strace $0x80000046;
	[dreg:$0x1] =	wrdreg $0xFFFFFFFF  }
0xb1: {  	s28 =	simm.s32 $_size_execute0_lowered;
	s10 =	sadd.s32 s10, s12;
	[dreg:$0x0] =	wrdreg $0x0  }
0xb2: {  	s12 =	sshll.u32 s28, $0x1;
	[dreg:$0x2] =	wrdreg s10  }
0xb3: {  	[dreg:$0x3] =	wrdreg s12  }
0xb4: {  	[dreg:$0x4] =	wrdreg $0xC0  }
0xb5: {  	_ =	task [dreg:s14], $0x5FFFF  }
0xb6: {  	[dreg:$0x1] =	wrdreg $0xFFFFFFFF  }
0xb7: {  	[dreg:$0x0] =	wrdreg $0x60  }
0xb8: {  	[dreg:$0x2] =	wrdreg s15  }
0xb9: {  	[dreg:$0x3] =	wrdreg s4  }
0xba: {  	[dreg:$0x4] =	wrdreg s24  }
0xbb: {  	[dreg:$0x5] =	wrdreg s9  }
0xbc: {  	[dreg:$0x6] =	wrdreg s7  }
0xbd: {  	[dreg:$0x7] =	wrdreg s18  }
0xbe: {  	[dreg:$0x8] =	wrdreg s8  }
0xbf: {  	[dreg:$0x9] =	wrdreg s16  }
0xc0: {  	[dreg:$0xa] =	wrdreg s17  }
0xc1: {  	[dreg:$0xb] =	wrdreg $0x9  }
0xc2: {  	_ =	task.clear_ibuf [dreg:s14], $0xCFFFF;
	_ =	strace $0x90000046  }
0xc3: {  	s29 =	simm.s32 $0x9;
	_ =	strace $0x80000048  }
0xc4: {  	_ =	swait.ge [sflag:s29], $0x1  }
0xc5: {  	[sflag:s29] =	ssyncadd.s32 $0xFFFFFFFF  }
0xc6: {  	_ =	strace $0x90000048  }
0xc7: {  	_ =	sfence  }
0xc8: {  	s30 =	sld [smem:$0x0];
	_ =	sdelay $0x2  }
0xc9: {  	s31 =	sshll.u32 s1, $0xD;
	s1 =	sshrl.u32 s1, $0x2  }
0xca: {  	s3 =	sand.u32 $0x4000, s31;
	s1 =	sadd.s32 s1, s30  }
0xcb: {  	s0 =	sor.u32 s3, s0;
	s1 =	sshll.u32 s1, $0x11  }
0xcc: {  	s0 =	sor.u32 s1, s0  }
0xcd: {  	s0 =	sadd.s32 $0x8F2B, s0  }
0xce: {  	[sflag:s0] =	ssyncadd.remote.s32 $0x1  }
0xcf: {  	_ =	sfence.sel $0xFFFF  }
0xd0: {  	[dreg:$0x0] =	wrdreg $0xFFFFFFFF;
	(pc) =	sbr.abs _section_cstart, $3  }
0xd1: {  	[dreg:$0x1] =	wrdreg $0xFFFFFFFF  }
0xd2: {  	_ =	task.clear_ibuf [dreg:s14], $0x2FFFF;
	_ =	strace $0x9FFFFFFF  }
0xd3: {  	(tm) =	ssettm $0x7FFFFFFF  }
tec
execute0_lowered:
.L_overlay_start_1:
0x0: {  	(tag) =	ssettag $0x1  }
0x1: {  	s0 =	rddreg [dreg:$0x0]  }
0x2: {  	s3 =	rddreg [dreg:$0x1]  }
0x3: {  	s10 =	rddreg [dreg:$0x2]  }
0x4: {  	s11 =	rddreg [dreg:$0x3]  }
0x5: {  	s12 =	rddreg [dreg:$0x4]  }
0x6: {  	s1 =	rddreg [dreg:$0x5]  }
0x7: {  	s2 =	rddreg [dreg:$0x6]  }
0x8: {  	s13 =	rddreg [dreg:$0x7]  }
0x9: {  	s4 =	rddreg [dreg:$0x8]  }
0xa: {  	s5 =	simm.s32 $0x0;
	s6 =	srdreg.scid;
	s7 =	stileid.u32  }
0xb: {  	s28 =	simm.s32 $0xC200;
	s29 =	simm.s32 $0xE200;
	s30 =	simm.s32 $0xF200  }
0xc: {  	s31 =	simm.s32 $0x10200;
	[smem:$0x7FF] =	sst s5;
	s8 =	sand.u32 $0x1, s6  }
0xd: {  	s21 =	sshll.u32 s7, $0x1;
	s6 =	sadd.s32 $0x1EEE00, s10;
	s7 =	sadd.s32 $0x18D200, s10  }
0xe: {  	s9 =	sadd.s32 $0x46800, s10;
	_ =	strace $0x80000047;
	s14 =	sor.u32 s8, s21  }
0xf: {  	s15 =	ssub.s32 $0x2, s8;
	s8 =	sadd.s32 $0x6800, s10;
	s21 =	simm.s32 $0x2  }
0x10: {  	s16 =	sshll.u32 s14, $0xA;
	s17 =	sshrl.u32 s15, $0x1;
	s22 =	sshll.u32 s14, $0x6  }
0x11: {  	s19 =	sadd.s32 s16, s10;
	s10 =	sadd.s32 $0x86800, s10;
	s0 =	sadd.s32 s0, s22  }
0x12: {  	s20 =	ssub.s32 s15, s17;
	s23 =	sadd.s32 s11, s16;
	[dreg:$0xa] =	wrdreg s0  }
0x13: {  	s24 =	sadd.s32 s13, s16;
	s15 =	sshll.u32 s14, $0xD;
	[dreg:$0xb] =	wrdreg s23  }
0x14: {  	s26 =	sadd.s32 s3, s22;
	s17 =	sadd.s32 s12, s16;
	[dreg:$0xc] =	wrdreg s24  }
0x15: {  	s22 =	simm.s32 $0x200;
	s25 =	sadd.s32 $0xC6800, s19;
	[dreg:$0xe] =	wrdreg s26  }
0x16: {  	s18 =	sadd.s32 $0xCE800, s19;
	s19 =	sadd.s32 $0xD6800, s19;
	s20 =	smax.u32 s20, $0x1  }
0x17: {  	s23 =	simm.s32 $0x4200;
	s24 =	simm.s32 $0x8200;
	s26 =	simm.s32 $0xA200  }
0x18: {  	s0 =	simm.s32 $0x0;
	[dreg:$0xd] =	wrdreg s25;
	s25 =	simm.s32 $0x1  }
.LBB2_1:
0x19: {  	s3 =	rddreg [dreg:$0xa]  }
0x1a: {  	[tilespmem:s5], [sflag:$0x2] =	stream.linear.gather [hbm4b:s3+s5], $0x200, $0x38;
	[tilespmem:$0x11200] =	vst v63  }
0x1b: {  	_ =	swait.ge [sflag:s21], $0x200  }
0x1c: {  	[sflag:s21] =	ssyncset.done $0x0  }
0x1d: {  	[sflag:s21] =	ssyncadd.s32 $0xFFFFFE00  }
0x1e: {  	[tilespmem:s22], [sflag:$0x1] =	stream.indirect.gather [hbm4b:s6+s22], $0x20, s5, s22, $0xb8;
	[tilespmem:$0x11200] =	vst v63  }
0x1f: {  	_ = 	snop  }
0x20: {  	[tilespmem:s23], [sflag:$0x1] =	stream.indirect.gather [hbm4b:s7+s22], $0x20, s5, s22, $0xb8;
	[tilespmem:$0x11200] =	vst v63  }
0x21: {  	s16 =	rddreg [dreg:$0xb]  }
0x22: {  	[tilespmem:s24], [sflag:$0x2] =	stream.linear.gather [hbm4b:s16+s5], $0x2000, $0x38;
	[tilespmem:$0x11200] =	vst v63  }
0x23: {  	_ =	swait.ge [sflag:s21], $0x2000  }
0x24: {  	[sflag:s21] =	ssyncset.done $0x0  }
0x25: {  	[sflag:s21] =	ssyncadd.s32 $0xFFFFE000  }
0x26: {  	_ =	swait.ge [sflag:s25], $0x4000  }
0x27: {  	[sflag:s25] =	ssyncset.done $0x0  }
0x28: {  	[sflag:s25] =	ssyncadd.s32 $0xFFFFC000  }
0x29: {  	_ =	swait.ge [sflag:s25], $0x4000  }
0x2a: {  	[sflag:s25] =	ssyncset.done $0x0  }
0x2b: {  	s3 =	simm.s32 $0x0;
	[sflag:s25] =	ssyncadd.s32 $0xFFFFC000  }
0x2c: {  	v0 =	vld [tilespmem:s3+$0x8200];
	_ =	sdelay $0x7  }
0x2d: {  	v1 =	vld.idx.msk [tilespmem:v0+s22+$0x0], $0xffff;
	_ =	sdelay $0x3  }
0x2e: {  	s11 =	simm.s32 $0x10;
	s12 =	simm.s32 $0x80  }
.LBB2_2:
0x2f: {  	p0 =	sne.s32 s12, $0x7FC0;
	v2 =	vld [tilespmem:s11+$0x8200];
	[tilespmem:s3+$0xA200] =	vst v1  }
0x30: {  	v1 =	vld.idx.msk [tilespmem:v0+s23+$0x0], $0xffff;
	_ =	sdelay $0x3  }
0x31: {  	v0 =	vmov v2;
	_ =	sdelay $0x1  }
0x32: {  	[tilespmem:s3+$0xC200] =	vst v1;
	s3 =	smov.u32 s11  }
0x33: {  	v1 =	vld.idx.msk [tilespmem:v2+s22+$0x0], $0xffff  }
.Ltmp0:
0x34: {  	(pc) =	sbr.rel @p0 .LBB2_2-.Ltmp0, $2  }
0x35: {  	_ =	sdelay $0x2  }
0x36: {  	s11 =	sshra.s32 s12, $0x2;
	s12 =	sadd.s32 $0x40, s12  }
0x37: {  	_ =	sdelay $0x1  }
0x38: {  	v2 =	vld [tilespmem:s11+$0x8200]  }
0x39: {  	[tilespmem:s3+$0xA200] =	vst v1  }
0x3a: {  	v0 =	vld.idx.msk [tilespmem:v0+s23+$0x0], $0xffff;
	_ =	sdelay $0x4  }
0x3b: {  	[tilespmem:s3+$0xC200] =	vst v0  }
0x3c: {  	v0 =	vld.idx.msk [tilespmem:v2+s22+$0x0], $0xffff;
	_ =	sdelay $0x4  }
0x3d: {  	[tilespmem:s11+$0xA200] =	vst v0  }
0x3e: {  	v0 =	vld.idx.msk [tilespmem:v2+s23+$0x0], $0xffff;
	_ =	sdelay $0x4  }
0x3f: {  	s14 =	rddreg [dreg:$0xc];
	s3 =	simm.s32 $0x0;
	[tilespmem:s11+$0xC200] =	vst v0  }
0x40: {  	[hbm4b:s14+s3] =	stream.linear.scatter [tilespmem:s26], [sflag:$0x2], $0x2000, $0x38;
	[tilespmem:$0x11200] =	vst v63  }
0x41: {  	_ =	swait.ge [sflag:s21], $0x2000  }
0x42: {  	[sflag:s21] =	ssyncset.done $0x0  }
0x43: {  	s16 =	rddreg [dreg:$0xd];
	[sflag:s21] =	ssyncadd.s32 $0xFFFFE000  }
0x44: {  	[hbm4b:s16+s3] =	stream.linear.scatter [tilespmem:s28], [sflag:$0x2], $0x2000, $0x38;
	[tilespmem:$0x11200] =	vst v63  }
0x45: {  	_ =	swait.ge [sflag:s21], $0x2000  }
0x46: {  	[sflag:s21] =	ssyncset.done $0x0  }
0x47: {  	s11 =	simm.s32 $0x0;
	[sflag:s21] =	ssyncadd.s32 $0xFFFFE000  }
.LBB2_4:
0x48: {  	s12 =	sshll.u32 s11, $0x9  }
0x49: {  	s13 =	sand.u32 $0x3FFFFE00, s12  }
0x4a: {  	s13 =	sadd.s32 $0xA200, s13  }
0x4b: {  	[tilespmem:s22], [sflag:$0x1] =	stream.indirect.gather [hbm4b:s6+s22], $0x20, s13, s22, $0xb8;
	[tilespmem:$0x11200] =	vst v63  }
0x4c: {  	s12 =	sadd.s32 s15, s12  }
0x4d: {  	[tilespmem:s23], [sflag:$0x1] =	stream.indirect.gather [hbm4b:s7+s22], $0x20, s13, s22, $0xb8;
	[tilespmem:$0x11200] =	vst v63  }
0x4e: {  	s16 =	sadd.s32 s1, s12  }
0x4f: {  	[tilespmem:s29], [sflag:$0x2] =	stream.linear.gather [hbm4b:s16+s3], $0x1000, $0x38;
	[tilespmem:$0x11200] =	vst v63  }
0x50: {  	_ =	swait.ge [sflag:s21], $0x1000  }
0x51: {  	[sflag:s21] =	ssyncset.done $0x0  }
0x52: {  	[sflag:s21] =	ssyncadd.s32 $0xFFFFF000  }
0x53: {  	_ =	swait.ge [sflag:s25], $0x4000  }
0x54: {  	[sflag:s25] =	ssyncset.done $0x0  }
0x55: {  	[sflag:s25] =	ssyncadd.s32 $0xFFFFC000  }
0x56: {  	_ =	swait.ge [sflag:s25], $0x4000  }
0x57: {  	[sflag:s25] =	ssyncset.done $0x0  }
0x58: {  	s13 =	simm.s32 $0x0;
	[sflag:s25] =	ssyncadd.s32 $0xFFFFC000  }
0x59: {  	v0 =	vld [tilespmem:s13+$0xE200];
	_ =	sdelay $0x7  }
0x5a: {  	v1 =	vld.idx.msk [tilespmem:v0+s22+$0x0], $0xffff;
	_ =	sdelay $0x3  }
0x5b: {  	s14 =	simm.s32 $0x10;
	s16 =	simm.s32 $0x80  }
.LBB2_5:
0x5c: {  	p0 =	sne.s32 s16, $0x3FC0;
	v2 =	vld [tilespmem:s14+$0xE200];
	[tilespmem:s13+$0xF200] =	vst v1  }
0x5d: {  	v1 =	vld.idx.msk [tilespmem:v0+s23+$0x0], $0xffff;
	_ =	sdelay $0x3  }
0x5e: {  	v0 =	vmov v2;
	_ =	sdelay $0x1  }
0x5f: {  	[tilespmem:s13+$0x10200] =	vst v1;
	s13 =	smov.u32 s14  }
0x60: {  	v1 =	vld.idx.msk [tilespmem:v2+s22+$0x0], $0xffff  }
.Ltmp1:
0x61: {  	(pc) =	sbr.rel @p0 .LBB2_5-.Ltmp1, $2  }
0x62: {  	_ =	sdelay $0x2  }
0x63: {  	s14 =	sshra.s32 s16, $0x2;
	s16 =	sadd.s32 $0x40, s16  }
0x64: {  	_ =	sdelay $0x1  }
0x65: {  	v2 =	vld [tilespmem:s14+$0xE200]  }
0x66: {  	[tilespmem:s13+$0xF200] =	vst v1  }
0x67: {  	v0 =	vld.idx.msk [tilespmem:v0+s23+$0x0], $0xffff;
	_ =	sdelay $0x4  }
0x68: {  	[tilespmem:s13+$0x10200] =	vst v0  }
0x69: {  	v0 =	vld.idx.msk [tilespmem:v2+s22+$0x0], $0xffff;
	_ =	sdelay $0x4  }
0x6a: {  	[tilespmem:s14+$0xF200] =	vst v0  }
0x6b: {  	v0 =	vld.idx.msk [tilespmem:v2+s23+$0x0], $0xffff;
	_ =	sdelay $0x4  }
0x6c: {  	[tilespmem:s14+$0x10200] =	vst v0;
	s14 =	sadd.s32 s4, s12  }
0x6d: {  	[hbm4b:s14+s5] =	stream.linear.scatter [tilespmem:s30], [sflag:$0x2], $0x1000, $0x38;
	[tilespmem:$0x11200] =	vst v63  }
0x6e: {  	s11 =	sadd.s32 $0x1, s11;
	_ =	swait.ge [sflag:s21], $0x1000  }
0x6f: {  	p0 =	sne.s32 s11, $0x10;
	[sflag:s21] =	ssyncset.done $0x0  }
.Ltmp2:
0x70: {  	s16 =	sadd.s32 s8, s12;
	[sflag:s21] =	ssyncadd.s32 $0xFFFFF000;
	(pc) =	sbr.rel @p0 .LBB2_4-.Ltmp2, $4  }
0x71: {  	[hbm4b:s16+s5] =	stream.linear.scatter [tilespmem:s31], [sflag:$0x2], $0x1000, $0x38;
	[tilespmem:$0x11200] =	vst v63  }
0x72: {  	_ =	swait.ge [sflag:s21], $0x1000  }
0x73: {  	[sflag:s21] =	ssyncset.done $0x0  }
0x74: {  	[sflag:s21] =	ssyncadd.s32 $0xFFFFF000  }
0x75: {  	s3 =	simm.s32 $0x0;
	s11 =	rddreg [dreg:$0xe]  }
0x76: {  	[tilespmem:s3], [sflag:$0x2] =	stream.linear.gather [hbm4b:s11+s3], $0x200, $0x38;
	[tilespmem:$0x11200] =	vst v63  }
0x77: {  	_ =	swait.ge [sflag:s21], $0x200  }
0x78: {  	[sflag:s21] =	ssyncset.done $0x0  }
0x79: {  	[sflag:s21] =	ssyncadd.s32 $0xFFFFFE00  }
0x7a: {  	[tilespmem:s22], [sflag:$0x1] =	stream.indirect.gather [hbm4b:s6+s22], $0x20, s3, s22, $0xb8;
	[tilespmem:$0x11200] =	vst v63  }
0x7b: {  	_ = 	snop  }
0x7c: {  	[tilespmem:s23], [sflag:$0x1] =	stream.indirect.gather [hbm4b:s7+s22], $0x20, s3, s22, $0xb8;
	[tilespmem:$0x11200] =	vst v63  }
0x7d: {  	_ = 	snop  }
0x7e: {  	[tilespmem:s24], [sflag:$0x2] =	stream.linear.gather [hbm4b:s17+s3], $0x2000, $0x38;
	[tilespmem:$0x11200] =	vst v63  }
0x7f: {  	_ =	swait.ge [sflag:s21], $0x2000  }
0x80: {  	[sflag:s21] =	ssyncset.done $0x0  }
0x81: {  	[sflag:s21] =	ssyncadd.s32 $0xFFFFE000  }
0x82: {  	_ =	swait.ge [sflag:s25], $0x4000  }
0x83: {  	[sflag:s25] =	ssyncset.done $0x0  }
0x84: {  	[sflag:s25] =	ssyncadd.s32 $0xFFFFC000  }
0x85: {  	_ =	swait.ge [sflag:s25], $0x4000  }
0x86: {  	[sflag:s25] =	ssyncset.done $0x0  }
0x87: {  	s3 =	simm.s32 $0x0;
	[sflag:s25] =	ssyncadd.s32 $0xFFFFC000  }
0x88: {  	v0 =	vld [tilespmem:s3+$0x8200];
	_ =	sdelay $0x7  }
0x89: {  	v1 =	vld.idx.msk [tilespmem:v0+s22+$0x0], $0xffff;
	_ =	sdelay $0x3  }
0x8a: {  	s12 =	simm.s32 $0x80;
	s11 =	simm.s32 $0x10  }
.LBB2_8:
0x8b: {  	p0 =	sne.s32 s12, $0x7FC0;
	v2 =	vld [tilespmem:s11+$0x8200];
	[tilespmem:s3+$0xA200] =	vst v1  }
0x8c: {  	v1 =	vld.idx.msk [tilespmem:v0+s23+$0x0], $0xffff;
	_ =	sdelay $0x3  }
0x8d: {  	v0 =	vmov v2;
	_ =	sdelay $0x1  }
0x8e: {  	[tilespmem:s3+$0xC200] =	vst v1;
	s3 =	smov.u32 s11  }
0x8f: {  	v1 =	vld.idx.msk [tilespmem:v2+s22+$0x0], $0xffff  }
.Ltmp3:
0x90: {  	(pc) =	sbr.rel @p0 .LBB2_8-.Ltmp3, $2  }
0x91: {  	_ =	sdelay $0x2  }
0x92: {  	s11 =	sshra.s32 s12, $0x2;
	s12 =	sadd.s32 $0x40, s12  }
0x93: {  	_ =	sdelay $0x1  }
0x94: {  	v2 =	vld [tilespmem:s11+$0x8200]  }
0x95: {  	[tilespmem:s3+$0xA200] =	vst v1  }
0x96: {  	v0 =	vld.idx.msk [tilespmem:v0+s23+$0x0], $0xffff;
	_ =	sdelay $0x4  }
0x97: {  	[tilespmem:s3+$0xC200] =	vst v0  }
0x98: {  	v0 =	vld.idx.msk [tilespmem:v2+s22+$0x0], $0xffff;
	_ =	sdelay $0x4  }
0x99: {  	[tilespmem:s11+$0xA200] =	vst v0  }
0x9a: {  	v0 =	vld.idx.msk [tilespmem:v2+s23+$0x0], $0xffff;
	_ =	sdelay $0x4  }
0x9b: {  	s3 =	simm.s32 $0x0;
	[tilespmem:s11+$0xC200] =	vst v0  }
0x9c: {  	[hbm4b:s18+s3] =	stream.linear.scatter [tilespmem:s26], [sflag:$0x2], $0x2000, $0x38;
	[tilespmem:$0x11200] =	vst v63  }
0x9d: {  	_ =	swait.ge [sflag:s21], $0x2000  }
0x9e: {  	[sflag:s21] =	ssyncset.done $0x0  }
0x9f: {  	[sflag:s21] =	ssyncadd.s32 $0xFFFFE000  }
0xa0: {  	[hbm4b:s19+s3] =	stream.linear.scatter [tilespmem:s28], [sflag:$0x2], $0x2000, $0x38;
	[tilespmem:$0x11200] =	vst v63  }
0xa1: {  	_ =	swait.ge [sflag:s21], $0x2000  }
0xa2: {  	[sflag:s21] =	ssyncset.done $0x0  }
0xa3: {  	s11 =	simm.s32 $0x0;
	[sflag:s21] =	ssyncadd.s32 $0xFFFFE000  }
.LBB2_10:
0xa4: {  	s12 =	sshll.u32 s11, $0x9  }
0xa5: {  	s13 =	sand.u32 $0x3FFFFE00, s12  }
0xa6: {  	s13 =	sadd.s32 $0xA200, s13  }
0xa7: {  	[tilespmem:s22], [sflag:$0x1] =	stream.indirect.gather [hbm4b:s6+s22], $0x20, s13, s22, $0xb8;
	[tilespmem:$0x11200] =	vst v63  }
0xa8: {  	s12 =	sadd.s32 s15, s12  }
0xa9: {  	[tilespmem:s23], [sflag:$0x1] =	stream.indirect.gather [hbm4b:s7+s22], $0x20, s13, s22, $0xb8;
	[tilespmem:$0x11200] =	vst v63  }
0xaa: {  	s16 =	sadd.s32 s2, s12  }
0xab: {  	[tilespmem:s29], [sflag:$0x2] =	stream.linear.gather [hbm4b:s16+s3], $0x1000, $0x38;
	[tilespmem:$0x11200] =	vst v63  }
0xac: {  	_ =	swait.ge [sflag:s21], $0x1000  }
0xad: {  	[sflag:s21] =	ssyncset.done $0x0  }
0xae: {  	[sflag:s21] =	ssyncadd.s32 $0xFFFFF000  }
0xaf: {  	_ =	swait.ge [sflag:s25], $0x4000  }
0xb0: {  	[sflag:s25] =	ssyncset.done $0x0  }
0xb1: {  	[sflag:s25] =	ssyncadd.s32 $0xFFFFC000  }
0xb2: {  	_ =	swait.ge [sflag:s25], $0x4000  }
0xb3: {  	[sflag:s25] =	ssyncset.done $0x0  }
0xb4: {  	s13 =	simm.s32 $0x0;
	[sflag:s25] =	ssyncadd.s32 $0xFFFFC000  }
0xb5: {  	v0 =	vld [tilespmem:s13+$0xE200];
	_ =	sdelay $0x7  }
0xb6: {  	v1 =	vld.idx.msk [tilespmem:v0+s22+$0x0], $0xffff;
	_ =	sdelay $0x3  }
0xb7: {  	s14 =	simm.s32 $0x10;
	s16 =	simm.s32 $0x80  }
.LBB2_11:
0xb8: {  	p0 =	sne.s32 s16, $0x3FC0;
	v2 =	vld [tilespmem:s14+$0xE200];
	[tilespmem:s13+$0xF200] =	vst v1  }
0xb9: {  	v1 =	vld.idx.msk [tilespmem:v0+s23+$0x0], $0xffff;
	_ =	sdelay $0x3  }
0xba: {  	v0 =	vmov v2;
	_ =	sdelay $0x1  }
0xbb: {  	[tilespmem:s13+$0x10200] =	vst v1;
	s13 =	smov.u32 s14  }
0xbc: {  	v1 =	vld.idx.msk [tilespmem:v2+s22+$0x0], $0xffff  }
.Ltmp4:
0xbd: {  	(pc) =	sbr.rel @p0 .LBB2_11-.Ltmp4, $2  }
0xbe: {  	_ =	sdelay $0x2  }
0xbf: {  	s14 =	sshra.s32 s16, $0x2;
	s16 =	sadd.s32 $0x40, s16  }
0xc0: {  	_ =	sdelay $0x1  }
0xc1: {  	v2 =	vld [tilespmem:s14+$0xE200]  }
0xc2: {  	[tilespmem:s13+$0xF200] =	vst v1  }
0xc3: {  	v0 =	vld.idx.msk [tilespmem:v0+s23+$0x0], $0xffff;
	_ =	sdelay $0x4  }
0xc4: {  	[tilespmem:s13+$0x10200] =	vst v0  }
0xc5: {  	v0 =	vld.idx.msk [tilespmem:v2+s22+$0x0], $0xffff;
	_ =	sdelay $0x4  }
0xc6: {  	[tilespmem:s14+$0xF200] =	vst v0  }
0xc7: {  	v0 =	vld.idx.msk [tilespmem:v2+s23+$0x0], $0xffff;
	_ =	sdelay $0x4  }
0xc8: {  	[tilespmem:s14+$0x10200] =	vst v0;
	s14 =	sadd.s32 s9, s12  }
0xc9: {  	[hbm4b:s14+s5] =	stream.linear.scatter [tilespmem:s30], [sflag:$0x2], $0x1000, $0x38;
	[tilespmem:$0x11200] =	vst v63  }
0xca: {  	s11 =	sadd.s32 $0x1, s11;
	_ =	swait.ge [sflag:s21], $0x1000  }
0xcb: {  	p0 =	sne.s32 s11, $0x10;
	[sflag:s21] =	ssyncset.done $0x0  }
.Ltmp5:
0xcc: {  	s16 =	sadd.s32 s10, s12;
	[sflag:s21] =	ssyncadd.s32 $0xFFFFF000;
	(pc) =	sbr.rel @p0 .LBB2_10-.Ltmp5, $4  }
0xcd: {  	[hbm4b:s16+s5] =	stream.linear.scatter [tilespmem:s31], [sflag:$0x2], $0x1000, $0x38;
	[tilespmem:$0x11200] =	vst v63  }
0xce: {  	_ =	swait.ge [sflag:s21], $0x1000  }
0xcf: {  	[sflag:s21] =	ssyncset.done $0x0  }
0xd0: {  	[sflag:s21] =	ssyncadd.s32 $0xFFFFF000  }
0xd1: {  	s0 =	sadd.s32 $0x1, s0  }
0xd2: {  	p0 =	sne.s32 s0, s20  }
.Ltmp6:
0xd3: {  	_ = 	snop;
	(pc) =	sbr.rel @p0 .LBB2_1-.Ltmp6, $1  }
0xd4: {  	_ =	sdelay $0x3  }
0xd5: {  	_ =	sfence.sel $0x180000  }
0xd6: {  	[bflag:$0x0] =	sbarrier.arrive $0xFFFF  }
0xd7: {  	_ =	strace $0x90000047  }
0xd8: {  	s0 =	stileid.u32;
	[bflag:$0x2] =	sbarrier.arrive $0xFFFF  }
0xd9: {  	p0 =	sne.s32 s0, $0x0;
	s0 =	rddreg [dreg:$0x9]  }
0xda: {  	s0 =	sadd.s32 @!p0 $0x100000, s0  }
0xdb: {  	[sflag:s0] =	ssyncadd.tile.s32 @!p0 $0x1;
	_ =	shalt  }
.Lfunc_end2:
_tile_overlayer_lowered:
.L_overlay_start_2:
0xdc: {  	(tag) =	ssettag $0x2  }
0xdd: {  	s0 =	rddreg [dreg:$0x0];
	s2 =	stileid.u32  }
0xde: {  	s1 =	rddreg [dreg:$0x1];
	p0 =	sne.s32 s2, $0x0  }
0xdf: {  	s3 =	rddreg [dreg:$0x2];
	[bflag:$0x3] =	sbarrier.arrive $0xFFFF;
	s2 =	simm.s32 @!p0 $0x1C02  }
0xe0: {  	[timem:s3], [sflag:s2] =	dma.local @!p0 [hbm:s0], s1  }
0xe1: {  	s0 =	simm.s32 @!p0 $0x2  }
0xe2: {  	_ =	swait.ge @!p0 [sflag:s0], s1  }
0xe3: {  	s1 =	ssub.s32 @!p0 $0x0, s1;
	[sflag:s0] =	ssyncset.done @!p0 $0x0  }
0xe4: {  	[sflag:s0] =	ssyncadd.s32 @!p0 s1  }
0xe5: {  	[bflag:$0x3] =	sbarrier.arrive $0xFFFF  }
0xe6: {  	_ =	shalt  }

</sc_bundles>
